<compile_context>
chip_gen: v7x
topology: tpu7x:2x2x1
jax: 0.10.2.dev20260603
libtpu: 0.0.44.dev20260713+nightly
codegen_flags: <defaults>
</compile_context>

<pallas_src>
import functools

import jax
import jax.numpy as jnp
from jax import lax
from jax.experimental import pallas as pl
from jax.experimental.pallas import tpu as pltpu
from jax.experimental.pallas import tpu_sc as plsc

_NP = 16


_PACK = 128 // _NP


def _proj_body(t_ref, w1_ref, w2p_ref, out_ref, *, scale, h):
    rt = lax.dot_general(w1_ref[...], w2p_ref[...], (((0,), (1,)), ((), ())),
                         preferred_element_type=jnp.float32) * scale
    tbl = t_ref[...]
    n = tbl.shape[0]
    tp = jnp.concatenate(
        [tbl, jnp.zeros((n, 128 - h), jnp.float32)], axis=1)
    t8 = tp.reshape(n // _PACK, _PACK * 128)
    rtp = jnp.concatenate(
        [rt, jnp.zeros((128 - h, _NP), jnp.float32)], axis=0)
    wbig = jnp.tile(rtp, (_PACK, _PACK))
    rows = lax.broadcasted_iota(jnp.int32, wbig.shape, 0) // 128
    cols = lax.broadcasted_iota(jnp.int32, wbig.shape, 1) // _NP
    wbig = jnp.where(rows == cols, wbig, 0.0)
    res = lax.dot_general(t8, wbig, (((1,), (0,)), ((), ())),
                          preferred_element_type=jnp.float32)
    rid = lax.broadcasted_iota(jnp.int32, res.shape, 0)
    cid = lax.broadcasted_iota(jnp.int32, res.shape, 1)
    res = jnp.where((rid == 0) & (pl.program_id(0) == 0) & (cid < _NP),
                    0.0, res)
    out_ref[...] = res


def _project_table(table, w1, w2p, scale):
    v, h = table.shape
    vp = v // _PACK
    blk = 1600
    nsteps = (vp + blk - 1) // blk
    return pl.pallas_call(
        functools.partial(_proj_body, scale=scale, h=h),
        grid=(nsteps,),
        in_specs=[
            pl.BlockSpec((blk * _PACK, h), lambda i: (i, 0)),
            pl.BlockSpec((h, h), lambda i: (0, 0)),
            pl.BlockSpec((_NP, h), lambda i: (0, 0)),
        ],
        out_specs=pl.BlockSpec((blk, 128), lambda i: (i, 0)),
        out_shape=jax.ShapeDtypeStruct((vp, 128), jnp.float32),
    )(table, w1, w2p)


def _gather_sum(text_flat, tq, batch, seq):
    info = plsc.get_sparse_core_info()
    ncores, nsub = info.num_cores, info.num_subcores
    nw = ncores * nsub
    bpw = batch // nw
    nrows = tq.shape[0]
    chunks = []
    off = 0
    while off < seq:
        sz = min(128, seq - off)
        chunks.append((off, sz))
        off += sz
    stg = (-(-nrows // nsub) + 7) // 8 * 8

    mesh = plsc.VectorSubcoreMesh(core_axis_name="c", subcore_axis_name="s")

    @functools.partial(
        pl.kernel,
        mesh=mesh,
        compiler_params=pltpu.CompilerParams(use_tc_tiling_on_sc=False),
        out_type=jax.ShapeDtypeStruct((batch, _NP), jnp.float32),
        scratch_types=[
            pltpu.VMEM((bpw * seq,), jnp.int32),
            pltpu.VMEM((6, seq, _NP), jnp.float32),
            pltpu.VMEM((bpw, _NP), jnp.float32),
        ] + [pltpu.SemaphoreType.DMA] * 6,
    )
    def k(text_hbm, tq_hbm, out_hbm, idx_v, buf_v, out_v, *sems):
        wid = lax.axis_index("s") * ncores + lax.axis_index("c")
        base = wid * (bpw * seq)
        pltpu.sync_copy(text_hbm.at[pl.ds(base, bpw * seq)], idx_v)

        def issue(s, b):
            for (o, sz) in chunks:
                pltpu.async_copy(
                    tq_hbm.at[idx_v.at[pl.ds(s * seq + o, sz)]],
                    buf_v.at[b, pl.ds(o, sz)],
                    sems[b])

        def wait(b):
            for (o, sz) in chunks:
                pltpu.make_async_copy(
                    tq_hbm.at[pl.ds(0, sz)],
                    buf_v.at[b, pl.ds(o, sz)],
                    sems[b]).wait()

        def accum(s, b):
            zero = jnp.zeros((_NP,), jnp.float32)

            def body(l, accs):
                r = l * 8
                return tuple(accs[u] + buf_v[b, r + u, :] for u in range(8))

            accs = lax.fori_loop(0, seq // 8, body, (zero,) * 8)
            out_v[s, :] = sum(accs[1:], accs[0])

        for j in range(6):
            issue(j, j)

        def body(g, _):
            s0 = g * 6
            for j in range(6):
                wait(j)
                accum(s0 + j, j)

                @pl.when(s0 + j + 6 < bpw)
                def _():
                    issue(s0 + j + 6, j)

            return 0

        lax.fori_loop(0, bpw // 6, body, 0)
        for j in range(bpw - (bpw // 6) * 6):
            wait(j)
            accum((bpw // 6) * 6 + j, j)
        pltpu.sync_copy(out_v, out_hbm.at[pl.ds(wid * bpw, bpw)])

    return k(text_flat, tq)


def _finish_body(z_ref, w2p_ref, b1_ref, b2p_ref, out_ref, *, ncls):
    c = lax.dot_general(b1_ref[...], w2p_ref[...], (((1,), (1,)), ((), ())),
                        precision=lax.Precision.HIGHEST,
                        preferred_element_type=jnp.float32) + b2p_ref[...]
    z = z_ref[...] + c
    zs = z[:, :ncls]
    m = jnp.max(zs, axis=1, keepdims=True)
    e = jnp.exp(zs - m)
    out_ref[...] = (zs - m) - jnp.log(jnp.sum(e, axis=1, keepdims=True))


def _finish(zacc, w2p, b1, b2p, ncls):
    batch = zacc.shape[0]
    return pl.pallas_call(
        functools.partial(_finish_body, ncls=ncls),
        in_specs=[
            pl.BlockSpec(zacc.shape, lambda: (0, 0)),
            pl.BlockSpec(w2p.shape, lambda: (0, 0)),
            pl.BlockSpec((1, b1.shape[0]), lambda: (0, 0)),
            pl.BlockSpec((1, _NP), lambda: (0, 0)),
        ],
        out_specs=pl.BlockSpec((batch, ncls), lambda: (0, 0)),
        out_shape=jax.ShapeDtypeStruct((batch, ncls), jnp.float32),
    )(zacc, w2p, b1.reshape(1, -1), b2p.reshape(1, -1))


def kernel(text, text_lengths, table, W1, b1, W2, b2):
    del text_lengths
    batch, seq = text.shape
    ncls, h = W2.shape
    w2p = jnp.zeros((_NP, h), W2.dtype).at[:ncls].set(W2)
    b2p = jnp.zeros((_NP,), b2.dtype).at[:ncls].set(b2)
    tq = _project_table(table, W1, w2p, 1.0 / seq)
    tq8 = tq.reshape(-1, _NP)
    zacc = _gather_sum(text.reshape(-1), tq8, batch, seq)
    return _finish(zacc, w2p, b1, b2p, ncls)

# --- scband reference (transcript-rebuilt; emitter-appended) ---
"""Pipeline reference for scband-fast-text-17420387353143 (READ-ONLY COPY).

The authoritative reference and input builder live on the scoring server;
editing this copy changes nothing except your own understanding.
"""

import jax, jax.numpy as jnp
import numpy as np

VOCAB = 100000
HID = 64
NC = 10
B = 4096
L = 200


def setup_inputs(seed: int = 0) -> dict:
    key = jax.random.key(seed)
    ks = jax.random.split(key, 8)
    text = jax.random.randint(ks[0], (B, L), 0, VOCAB, dtype=jnp.int32)
    text_lengths = jax.random.randint(ks[1], (B,), 1, L + 1, dtype=jnp.int32)
    table = jax.random.normal(ks[2], (VOCAB, HID), dtype=jnp.float32) * 0.02
    table = table.at[0].set(0.0)  # padding_idx = 0
    bound1 = 1.0 / np.sqrt(HID)
    W1 = jax.random.uniform(ks[3], (HID, HID), jnp.float32, -bound1, bound1)
    b1 = jax.random.uniform(ks[4], (HID,), jnp.float32, -bound1, bound1)
    W2 = jax.random.uniform(ks[5], (NC, HID), jnp.float32, -bound1, bound1)
    b2 = jax.random.uniform(ks[6], (NC,), jnp.float32, -bound1, bound1)
    return {"text": text, "text_lengths": text_lengths, "table": table,
            "W1": W1, "b1": b1, "W2": W2, "b2": b2}


def reference(text, text_lengths, table, W1, b1, W2, b2):
    # fastText forward: embedding lookup -> mean pool over seq -> fc1 -> fc -> log_softmax
    tab = table.at[0].set(0.0)  # enforce zero padding row (padding_idx=0)
    embedded = jnp.take(tab, text, axis=0)          # [B, L, HID] gather
    pooled = embedded.mean(axis=1)                  # [B, HID]
    h = pooled @ W1.T + b1                          # fc1 (no activation, as in source)
    z = h @ W2.T + b2                               # fc
    out = jax.nn.log_softmax(z, axis=1)
    return out

if __name__ == "__main__":
    import jax
    _d = setup_inputs()
    print(jax.jit(kernel)(*tuple(_d.values())))

</pallas_src>

<mosaic_0001>
#map = affine_map<(d0, d1) -> (0)>
#map1 = affine_map<(d0, d1) -> (0, 0)>
module attributes {stable_mosaic.version = 14 : i64} {
  func.func @k(%arg0: i32, %arg1: i32, %arg2: memref<819200xi32, #tpu.memory_space<hbm>>, %arg3: memref<100000x16xf32, #tpu.memory_space<hbm>>, %arg4: memref<4096x16xf32, #tpu.memory_space<hbm>>, %arg5: memref<25600xi32, #tpu.memory_space<vmem>>, %arg6: memref<6x200x16xf32, #tpu.memory_space<vmem>>, %arg7: memref<128x16xf32, #tpu.memory_space<vmem>>, %arg8: memref<!tpu.dma_semaphore, #tpu.memory_space<semaphore_mem>>, %arg9: memref<!tpu.dma_semaphore, #tpu.memory_space<semaphore_mem>>, %arg10: memref<!tpu.dma_semaphore, #tpu.memory_space<semaphore_mem>>, %arg11: memref<!tpu.dma_semaphore, #tpu.memory_space<semaphore_mem>>, %arg12: memref<!tpu.dma_semaphore, #tpu.memory_space<semaphore_mem>>, %arg13: memref<!tpu.dma_semaphore, #tpu.memory_space<semaphore_mem>>) attributes {dimension_semantics = [#tpu.dimension_semantics<core_parallel>, #tpu.dimension_semantics<subcore_parallel>], iteration_bounds = array<i64: 2, 16>, scalar_prefetch = 0 : i64, scratch_operands = 9 : i64, tpu.core_type = #tpu.core_type<sc_vector_subcore>, window_params = [{transform_indices = #map}, {transform_indices = #map1}, {transform_indices = #map1}]} {
    %mul3A = arith.constant 2 : i32
    %mul3A_0 = arith.muli %arg1, %mul3A : i32
    %add3A = arith.addi %mul3A_0, %arg0 : i32
    %mul3A_1 = arith.constant 25600 : i32
    %mul3A_2 = arith.muli %add3A, %mul3A_1 : i32
    "tpu.region"() ({
      %run_scoped3A = tpu.sem_alloc : memref<!tpu.dma_semaphore, #tpu.memory_space<semaphore_mem>>
      %dma_start3A_229 = tpu.memref_slice %arg2[%mul3A_2] : memref<819200xi32, #tpu.memory_space<hbm>> -> memref<25600xi32, #tpu.memory_space<hbm>>
      %dma_start3A_230 = tpu.memref_slice %arg2[%mul3A_2] : memref<819200xi32, #tpu.memory_space<hbm>> -> memref<25600xi32, #tpu.memory_space<hbm>>
      tpu.enqueue_dma source(%dma_start3A_230 : memref<25600xi32, #tpu.memory_space<hbm>>) target(%arg5 : memref<25600xi32, #tpu.memory_space<vmem>>) target_semaphore(%run_scoped3A : memref<!tpu.dma_semaphore, #tpu.memory_space<semaphore_mem>>)
      %dma_wait3A_231 = tpu.memref_slice %arg2[%mul3A_2] : memref<819200xi32, #tpu.memory_space<hbm>> -> memref<25600xi32, #tpu.memory_space<hbm>>
      %dma_wait3A_232 = tpu.memref_slice %arg2[%mul3A_2] : memref<819200xi32, #tpu.memory_space<hbm>> -> memref<25600xi32, #tpu.memory_space<hbm>>
      tpu.wait_dma2 semaphore(%run_scoped3A : memref<!tpu.dma_semaphore, #tpu.memory_space<semaphore_mem>>) src(%dma_wait3A_232 : memref<25600xi32, #tpu.memory_space<hbm>>) dst(%arg5 : memref<25600xi32, #tpu.memory_space<vmem>>)
      tpu.yield
    }) : () -> ()
    %dma_start3A = arith.constant 0 : i32
    %dma_start3A_3 = arith.constant 0 : i32
    %dma_start3A_4 = arith.constant 0 : i32
    %dma_start3A_5 = tpu.memref_slice %arg6[%dma_start3A, %dma_start3A_3, %dma_start3A_4] : memref<6x200x16xf32, #tpu.memory_space<vmem>> -> memref<1x128x16xf32, #tpu.memory_space<vmem>>
    %dma_start3A_6 = tpu.memref_squeeze %dma_start3A_5 : memref<1x128x16xf32, #tpu.memory_space<vmem>> -> memref<128x16xf32, #tpu.memory_space<vmem>>
    %dma_start3A_7 = arith.constant 0 : i32
    %dma_start3A_8 = tpu.memref_slice %arg5[%dma_start3A_7] : memref<25600xi32, #tpu.memory_space<vmem>> -> memref<128xi32, #tpu.memory_space<vmem>>
    %dma_start3A_9 = arith.constant 0 : i32
    %dma_start3A_10 = arith.constant 0 : i32
    %dma_start3A_11 = tpu.memref_slice %arg3[%dma_start3A_9, %dma_start3A_10] : memref<100000x16xf32, #tpu.memory_space<hbm>> -> memref<100000x16xf32, #tpu.memory_space<hbm>>
    tpu.enqueue_indirect_dma source(%dma_start3A_11 : memref<100000x16xf32, #tpu.memory_space<hbm>>) target(%dma_start3A_6 : memref<128x16xf32, #tpu.memory_space<vmem>>) offsets(%dma_start3A_8 : memref<128xi32, #tpu.memory_space<vmem>>) semaphore(%arg8 : memref<!tpu.dma_semaphore, #tpu.memory_space<semaphore_mem>>)
    %dma_start3A_12 = arith.constant 0 : i32
    %dma_start3A_13 = arith.constant 128 : i32
    %dma_start3A_14 = arith.constant 0 : i32
    %dma_start3A_15 = tpu.memref_slice %arg6[%dma_start3A_12, %dma_start3A_13, %dma_start3A_14] : memref<6x200x16xf32, #tpu.memory_space<vmem>> -> memref<1x72x16xf32, #tpu.memory_space<vmem>>
    %dma_start3A_16 = tpu.memref_squeeze %dma_start3A_15 : memref<1x72x16xf32, #tpu.memory_space<vmem>> -> memref<72x16xf32, #tpu.memory_space<vmem>>
    %dma_start3A_17 = arith.constant 128 : i32
    %dma_start3A_18 = tpu.memref_slice %arg5[%dma_start3A_17] : memref<25600xi32, #tpu.memory_space<vmem>> -> memref<72xi32, #tpu.memory_space<vmem>>
    %dma_start3A_19 = arith.constant 0 : i32
    %dma_start3A_20 = arith.constant 0 : i32
    %dma_start3A_21 = tpu.memref_slice %arg3[%dma_start3A_19, %dma_start3A_20] : memref<100000x16xf32, #tpu.memory_space<hbm>> -> memref<100000x16xf32, #tpu.memory_space<hbm>>
    tpu.enqueue_indirect_dma source(%dma_start3A_21 : memref<100000x16xf32, #tpu.memory_space<hbm>>) target(%dma_start3A_16 : memref<72x16xf32, #tpu.memory_space<vmem>>) offsets(%dma_start3A_18 : memref<72xi32, #tpu.memory_space<vmem>>) semaphore(%arg8 : memref<!tpu.dma_semaphore, #tpu.memory_space<semaphore_mem>>)
    %dma_start3A_22 = arith.constant 1 : i32
    %dma_start3A_23 = arith.constant 0 : i32
    %dma_start3A_24 = arith.constant 0 : i32
    %dma_start3A_25 = tpu.memref_slice %arg6[%dma_start3A_22, %dma_start3A_23, %dma_start3A_24] : memref<6x200x16xf32, #tpu.memory_space<vmem>> -> memref<1x128x16xf32, #tpu.memory_space<vmem>>
    %dma_start3A_26 = tpu.memref_squeeze %dma_start3A_25 : memref<1x128x16xf32, #tpu.memory_space<vmem>> -> memref<128x16xf32, #tpu.memory_space<vmem>>
    %dma_start3A_27 = arith.constant 200 : i32
    %dma_start3A_28 = tpu.memref_slice %arg5[%dma_start3A_27] : memref<25600xi32, #tpu.memory_space<vmem>> -> memref<128xi32, #tpu.memory_space<vmem>>
    %dma_start3A_29 = arith.constant 0 : i32
    %dma_start3A_30 = arith.constant 0 : i32
    %dma_start3A_31 = tpu.memref_slice %arg3[%dma_start3A_29, %dma_start3A_30] : memref<100000x16xf32, #tpu.memory_space<hbm>> -> memref<100000x16xf32, #tpu.memory_space<hbm>>
    tpu.enqueue_indirect_dma source(%dma_start3A_31 : memref<100000x16xf32, #tpu.memory_space<hbm>>) target(%dma_start3A_26 : memref<128x16xf32, #tpu.memory_space<vmem>>) offsets(%dma_start3A_28 : memref<128xi32, #tpu.memory_space<vmem>>) semaphore(%arg9 : memref<!tpu.dma_semaphore, #tpu.memory_space<semaphore_mem>>)
    %dma_start3A_32 = arith.constant 1 : i32
    %dma_start3A_33 = arith.constant 128 : i32
    %dma_start3A_34 = arith.constant 0 : i32
    %dma_start3A_35 = tpu.memref_slice %arg6[%dma_start3A_32, %dma_start3A_33, %dma_start3A_34] : memref<6x200x16xf32, #tpu.memory_space<vmem>> -> memref<1x72x16xf32, #tpu.memory_space<vmem>>
    %dma_start3A_36 = tpu.memref_squeeze %dma_start3A_35 : memref<1x72x16xf32, #tpu.memory_space<vmem>> -> memref<72x16xf32, #tpu.memory_space<vmem>>
    %dma_start3A_37 = arith.constant 328 : i32
    %dma_start3A_38 = tpu.memref_slice %arg5[%dma_start3A_37] : memref<25600xi32, #tpu.memory_space<vmem>> -> memref<72xi32, #tpu.memory_space<vmem>>
    %dma_start3A_39 = arith.constant 0 : i32
    %dma_start3A_40 = arith.constant 0 : i32
    %dma_start3A_41 = tpu.memref_slice %arg3[%dma_start3A_39, %dma_start3A_40] : memref<100000x16xf32, #tpu.memory_space<hbm>> -> memref<100000x16xf32, #tpu.memory_space<hbm>>
    tpu.enqueue_indirect_dma source(%dma_start3A_41 : memref<100000x16xf32, #tpu.memory_space<hbm>>) target(%dma_start3A_36 : memref<72x16xf32, #tpu.memory_space<vmem>>) offsets(%dma_start3A_38 : memref<72xi32, #tpu.memory_space<vmem>>) semaphore(%arg9 : memref<!tpu.dma_semaphore, #tpu.memory_space<semaphore_mem>>)
    %dma_start3A_42 = arith.constant 2 : i32
    %dma_start3A_43 = arith.constant 0 : i32
    %dma_start3A_44 = arith.constant 0 : i32
    %dma_start3A_45 = tpu.memref_slice %arg6[%dma_start3A_42, %dma_start3A_43, %dma_start3A_44] : memref<6x200x16xf32, #tpu.memory_space<vmem>> -> memref<1x128x16xf32, #tpu.memory_space<vmem>>
    %dma_start3A_46 = tpu.memref_squeeze %dma_start3A_45 : memref<1x128x16xf32, #tpu.memory_space<vmem>> -> memref<128x16xf32, #tpu.memory_space<vmem>>
    %dma_start3A_47 = arith.constant 400 : i32
    %dma_start3A_48 = tpu.memref_slice %arg5[%dma_start3A_47] : memref<25600xi32, #tpu.memory_space<vmem>> -> memref<128xi32, #tpu.memory_space<vmem>>
    %dma_start3A_49 = arith.constant 0 : i32
    %dma_start3A_50 = arith.constant 0 : i32
    %dma_start3A_51 = tpu.memref_slice %arg3[%dma_start3A_49, %dma_start3A_50] : memref<100000x16xf32, #tpu.memory_space<hbm>> -> memref<100000x16xf32, #tpu.memory_space<hbm>>
    tpu.enqueue_indirect_dma source(%dma_start3A_51 : memref<100000x16xf32, #tpu.memory_space<hbm>>) target(%dma_start3A_46 : memref<128x16xf32, #tpu.memory_space<vmem>>) offsets(%dma_start3A_48 : memref<128xi32, #tpu.memory_space<vmem>>) semaphore(%arg10 : memref<!tpu.dma_semaphore, #tpu.memory_space<semaphore_mem>>)
    %dma_start3A_52 = arith.constant 2 : i32
    %dma_start3A_53 = arith.constant 128 : i32
    %dma_start3A_54 = arith.constant 0 : i32
    %dma_start3A_55 = tpu.memref_slice %arg6[%dma_start3A_52, %dma_start3A_53, %dma_start3A_54] : memref<6x200x16xf32, #tpu.memory_space<vmem>> -> memref<1x72x16xf32, #tpu.memory_space<vmem>>
    %dma_start3A_56 = tpu.memref_squeeze %dma_start3A_55 : memref<1x72x16xf32, #tpu.memory_space<vmem>> -> memref<72x16xf32, #tpu.memory_space<vmem>>
    %dma_start3A_57 = arith.constant 528 : i32
    %dma_start3A_58 = tpu.memref_slice %arg5[%dma_start3A_57] : memref<25600xi32, #tpu.memory_space<vmem>> -> memref<72xi32, #tpu.memory_space<vmem>>
    %dma_start3A_59 = arith.constant 0 : i32
    %dma_start3A_60 = arith.constant 0 : i32
    %dma_start3A_61 = tpu.memref_slice %arg3[%dma_start3A_59, %dma_start3A_60] : memref<100000x16xf32, #tpu.memory_space<hbm>> -> memref<100000x16xf32, #tpu.memory_space<hbm>>
    tpu.enqueue_indirect_dma source(%dma_start3A_61 : memref<100000x16xf32, #tpu.memory_space<hbm>>) target(%dma_start3A_56 : memref<72x16xf32, #tpu.memory_space<vmem>>) offsets(%dma_start3A_58 : memref<72xi32, #tpu.memory_space<vmem>>) semaphore(%arg10 : memref<!tpu.dma_semaphore, #tpu.memory_space<semaphore_mem>>)
    %dma_start3A_62 = arith.constant 3 : i32
    %dma_start3A_63 = arith.constant 0 : i32
    %dma_start3A_64 = arith.constant 0 : i32
    %dma_start3A_65 = tpu.memref_slice %arg6[%dma_start3A_62, %dma_start3A_63, %dma_start3A_64] : memref<6x200x16xf32, #tpu.memory_space<vmem>> -> memref<1x128x16xf32, #tpu.memory_space<vmem>>
    %dma_start3A_66 = tpu.memref_squeeze %dma_start3A_65 : memref<1x128x16xf32, #tpu.memory_space<vmem>> -> memref<128x16xf32, #tpu.memory_space<vmem>>
    %dma_start3A_67 = arith.constant 600 : i32
    %dma_start3A_68 = tpu.memref_slice %arg5[%dma_start3A_67] : memref<25600xi32, #tpu.memory_space<vmem>> -> memref<128xi32, #tpu.memory_space<vmem>>
    %dma_start3A_69 = arith.constant 0 : i32
    %dma_start3A_70 = arith.constant 0 : i32
    %dma_start3A_71 = tpu.memref_slice %arg3[%dma_start3A_69, %dma_start3A_70] : memref<100000x16xf32, #tpu.memory_space<hbm>> -> memref<100000x16xf32, #tpu.memory_space<hbm>>
    tpu.enqueue_indirect_dma source(%dma_start3A_71 : memref<100000x16xf32, #tpu.memory_space<hbm>>) target(%dma_start3A_66 : memref<128x16xf32, #tpu.memory_space<vmem>>) offsets(%dma_start3A_68 : memref<128xi32, #tpu.memory_space<vmem>>) semaphore(%arg11 : memref<!tpu.dma_semaphore, #tpu.memory_space<semaphore_mem>>)
    %dma_start3A_72 = arith.constant 3 : i32
    %dma_start3A_73 = arith.constant 128 : i32
    %dma_start3A_74 = arith.constant 0 : i32
    %dma_start3A_75 = tpu.memref_slice %arg6[%dma_start3A_72, %dma_start3A_73, %dma_start3A_74] : memref<6x200x16xf32, #tpu.memory_space<vmem>> -> memref<1x72x16xf32, #tpu.memory_space<vmem>>
    %dma_start3A_76 = tpu.memref_squeeze %dma_start3A_75 : memref<1x72x16xf32, #tpu.memory_space<vmem>> -> memref<72x16xf32, #tpu.memory_space<vmem>>
    %dma_start3A_77 = arith.constant 728 : i32
    %dma_start3A_78 = tpu.memref_slice %arg5[%dma_start3A_77] : memref<25600xi32, #tpu.memory_space<vmem>> -> memref<72xi32, #tpu.memory_space<vmem>>
    %dma_start3A_79 = arith.constant 0 : i32
    %dma_start3A_80 = arith.constant 0 : i32
    %dma_start3A_81 = tpu.memref_slice %arg3[%dma_start3A_79, %dma_start3A_80] : memref<100000x16xf32, #tpu.memory_space<hbm>> -> memref<100000x16xf32, #tpu.memory_space<hbm>>
    tpu.enqueue_indirect_dma source(%dma_start3A_81 : memref<100000x16xf32, #tpu.memory_space<hbm>>) target(%dma_start3A_76 : memref<72x16xf32, #tpu.memory_space<vmem>>) offsets(%dma_start3A_78 : memref<72xi32, #tpu.memory_space<vmem>>) semaphore(%arg11 : memref<!tpu.dma_semaphore, #tpu.memory_space<semaphore_mem>>)
    %dma_start3A_82 = arith.constant 4 : i32
    %dma_start3A_83 = arith.constant 0 : i32
    %dma_start3A_84 = arith.constant 0 : i32
    %dma_start3A_85 = tpu.memref_slice %arg6[%dma_start3A_82, %dma_start3A_83, %dma_start3A_84] : memref<6x200x16xf32, #tpu.memory_space<vmem>> -> memref<1x128x16xf32, #tpu.memory_space<vmem>>
    %dma_start3A_86 = tpu.memref_squeeze %dma_start3A_85 : memref<1x128x16xf32, #tpu.memory_space<vmem>> -> memref<128x16xf32, #tpu.memory_space<vmem>>
    %dma_start3A_87 = arith.constant 800 : i32
    %dma_start3A_88 = tpu.memref_slice %arg5[%dma_start3A_87] : memref<25600xi32, #tpu.memory_space<vmem>> -> memref<128xi32, #tpu.memory_space<vmem>>
    %dma_start3A_89 = arith.constant 0 : i32
    %dma_start3A_90 = arith.constant 0 : i32
    %dma_start3A_91 = tpu.memref_slice %arg3[%dma_start3A_89, %dma_start3A_90] : memref<100000x16xf32, #tpu.memory_space<hbm>> -> memref<100000x16xf32, #tpu.memory_space<hbm>>
    tpu.enqueue_indirect_dma source(%dma_start3A_91 : memref<100000x16xf32, #tpu.memory_space<hbm>>) target(%dma_start3A_86 : memref<128x16xf32, #tpu.memory_space<vmem>>) offsets(%dma_start3A_88 : memref<128xi32, #tpu.memory_space<vmem>>) semaphore(%arg12 : memref<!tpu.dma_semaphore, #tpu.memory_space<semaphore_mem>>)
    %dma_start3A_92 = arith.constant 4 : i32
    %dma_start3A_93 = arith.constant 128 : i32
    %dma_start3A_94 = arith.constant 0 : i32
    %dma_start3A_95 = tpu.memref_slice %arg6[%dma_start3A_92, %dma_start3A_93, %dma_start3A_94] : memref<6x200x16xf32, #tpu.memory_space<vmem>> -> memref<1x72x16xf32, #tpu.memory_space<vmem>>
    %dma_start3A_96 = tpu.memref_squeeze %dma_start3A_95 : memref<1x72x16xf32, #tpu.memory_space<vmem>> -> memref<72x16xf32, #tpu.memory_space<vmem>>
    %dma_start3A_97 = arith.constant 928 : i32
    %dma_start3A_98 = tpu.memref_slice %arg5[%dma_start3A_97] : memref<25600xi32, #tpu.memory_space<vmem>> -> memref<72xi32, #tpu.memory_space<vmem>>
    %dma_start3A_99 = arith.constant 0 : i32
    %dma_start3A_100 = arith.constant 0 : i32
    %dma_start3A_101 = tpu.memref_slice %arg3[%dma_start3A_99, %dma_start3A_100] : memref<100000x16xf32, #tpu.memory_space<hbm>> -> memref<100000x16xf32, #tpu.memory_space<hbm>>
    tpu.enqueue_indirect_dma source(%dma_start3A_101 : memref<100000x16xf32, #tpu.memory_space<hbm>>) target(%dma_start3A_96 : memref<72x16xf32, #tpu.memory_space<vmem>>) offsets(%dma_start3A_98 : memref<72xi32, #tpu.memory_space<vmem>>) semaphore(%arg12 : memref<!tpu.dma_semaphore, #tpu.memory_space<semaphore_mem>>)
    %dma_start3A_102 = arith.constant 5 : i32
    %dma_start3A_103 = arith.constant 0 : i32
    %dma_start3A_104 = arith.constant 0 : i32
    %dma_start3A_105 = tpu.memref_slice %arg6[%dma_start3A_102, %dma_start3A_103, %dma_start3A_104] : memref<6x200x16xf32, #tpu.memory_space<vmem>> -> memref<1x128x16xf32, #tpu.memory_space<vmem>>
    %dma_start3A_106 = tpu.memref_squeeze %dma_start3A_105 : memref<1x128x16xf32, #tpu.memory_space<vmem>> -> memref<128x16xf32, #tpu.memory_space<vmem>>
    %dma_start3A_107 = arith.constant 1000 : i32
    %dma_start3A_108 = tpu.memref_slice %arg5[%dma_start3A_107] : memref<25600xi32, #tpu.memory_space<vmem>> -> memref<128xi32, #tpu.memory_space<vmem>>
    %dma_start3A_109 = arith.constant 0 : i32
    %dma_start3A_110 = arith.constant 0 : i32
    %dma_start3A_111 = tpu.memref_slice %arg3[%dma_start3A_109, %dma_start3A_110] : memref<100000x16xf32, #tpu.memory_space<hbm>> -> memref<100000x16xf32, #tpu.memory_space<hbm>>
    tpu.enqueue_indirect_dma source(%dma_start3A_111 : memref<100000x16xf32, #tpu.memory_space<hbm>>) target(%dma_start3A_106 : memref<128x16xf32, #tpu.memory_space<vmem>>) offsets(%dma_start3A_108 : memref<128xi32, #tpu.memory_space<vmem>>) semaphore(%arg13 : memref<!tpu.dma_semaphore, #tpu.memory_space<semaphore_mem>>)
    %dma_start3A_112 = arith.constant 5 : i32
    %dma_start3A_113 = arith.constant 128 : i32
    %dma_start3A_114 = arith.constant 0 : i32
    %dma_start3A_115 = tpu.memref_slice %arg6[%dma_start3A_112, %dma_start3A_113, %dma_start3A_114] : memref<6x200x16xf32, #tpu.memory_space<vmem>> -> memref<1x72x16xf32, #tpu.memory_space<vmem>>
    %dma_start3A_116 = tpu.memref_squeeze %dma_start3A_115 : memref<1x72x16xf32, #tpu.memory_space<vmem>> -> memref<72x16xf32, #tpu.memory_space<vmem>>
    %dma_start3A_117 = arith.constant 1128 : i32
    %dma_start3A_118 = tpu.memref_slice %arg5[%dma_start3A_117] : memref<25600xi32, #tpu.memory_space<vmem>> -> memref<72xi32, #tpu.memory_space<vmem>>
    %dma_start3A_119 = arith.constant 0 : i32
    %dma_start3A_120 = arith.constant 0 : i32
    %dma_start3A_121 = tpu.memref_slice %arg3[%dma_start3A_119, %dma_start3A_120] : memref<100000x16xf32, #tpu.memory_space<hbm>> -> memref<100000x16xf32, #tpu.memory_space<hbm>>
    tpu.enqueue_indirect_dma source(%dma_start3A_121 : memref<100000x16xf32, #tpu.memory_space<hbm>>) target(%dma_start3A_116 : memref<72x16xf32, #tpu.memory_space<vmem>>) offsets(%dma_start3A_118 : memref<72xi32, #tpu.memory_space<vmem>>) semaphore(%arg13 : memref<!tpu.dma_semaphore, #tpu.memory_space<semaphore_mem>>)
    %scan3A = arith.constant 0 : i32
    %scan3A_122 = arith.constant 0 : i32
    %scan3A_123 = arith.constant 21 : i32
    %scan3A_124 = arith.addi %scan3A_122, %scan3A_123 : i32
    %scan3A_125 = arith.constant 1 : i32
    %scan3A_126 = scf.for %scan3A_229 = %scan3A_122 to %scan3A_124 step %scan3A_125 iter_args(%scan3A_230 = %scan3A) -> (i32)  : i32 {
      %mul3A_231 = arith.constant 6 : i32
      %mul3A_232 = arith.muli %scan3A_229, %mul3A_231 : i32
      %dma_wait3A_233 = arith.constant 0 : i32
      %dma_wait3A_234 = arith.constant 0 : i32
      %dma_wait3A_235 = arith.constant 0 : i32
      %dma_wait3A_236 = tpu.memref_slice %arg6[%dma_wait3A_233, %dma_wait3A_234, %dma_wait3A_235] : memref<6x200x16xf32, #tpu.memory_space<vmem>> -> memref<1x128x16xf32, #tpu.memory_space<vmem>>
      %dma_wait3A_237 = tpu.memref_squeeze %dma_wait3A_236 : memref<1x128x16xf32, #tpu.memory_space<vmem>> -> memref<128x16xf32, #tpu.memory_space<vmem>>
      %dma_wait3A_238 = arith.constant 0 : i32
      %dma_wait3A_239 = arith.constant 0 : i32
      %dma_wait3A_240 = tpu.memref_slice %arg3[%dma_wait3A_238, %dma_wait3A_239] : memref<100000x16xf32, #tpu.memory_space<hbm>> -> memref<128x16xf32, #tpu.memory_space<hbm>>
      %dma_wait3A_241 = arith.constant 0 : i32
      %dma_wait3A_242 = arith.constant 0 : i32
      %dma_wait3A_243 = tpu.memref_slice %arg6[%dma_wait3A_233, %dma_wait3A_241, %dma_wait3A_242] : memref<6x200x16xf32, #tpu.memory_space<vmem>> -> memref<1x128x16xf32, #tpu.memory_space<vmem>>
      %dma_wait3A_244 = tpu.memref_squeeze %dma_wait3A_243 : memref<1x128x16xf32, #tpu.memory_space<vmem>> -> memref<128x16xf32, #tpu.memory_space<vmem>>
      %dma_wait3A_245 = arith.constant 0 : i32
      %dma_wait3A_246 = arith.constant 0 : i32
      %dma_wait3A_247 = tpu.memref_slice %arg3[%dma_wait3A_245, %dma_wait3A_246] : memref<100000x16xf32, #tpu.memory_space<hbm>> -> memref<128x16xf32, #tpu.memory_space<hbm>>
      tpu.wait_dma2 semaphore(%arg8 : memref<!tpu.dma_semaphore, #tpu.memory_space<semaphore_mem>>) src(%dma_wait3A_247 : memref<128x16xf32, #tpu.memory_space<hbm>>) dst(%dma_wait3A_244 : memref<128x16xf32, #tpu.memory_space<vmem>>)
      %dma_wait3A_248 = arith.constant 0 : i32
      %dma_wait3A_249 = arith.constant 128 : i32
      %dma_wait3A_250 = arith.constant 0 : i32
      %dma_wait3A_251 = tpu.memref_slice %arg6[%dma_wait3A_248, %dma_wait3A_249, %dma_wait3A_250] : memref<6x200x16xf32, #tpu.memory_space<vmem>> -> memref<1x72x16xf32, #tpu.memory_space<vmem>>
      %dma_wait3A_252 = tpu.memref_squeeze %dma_wait3A_251 : memref<1x72x16xf32, #tpu.memory_space<vmem>> -> memref<72x16xf32, #tpu.memory_space<vmem>>
      %dma_wait3A_253 = arith.constant 0 : i32
      %dma_wait3A_254 = arith.constant 0 : i32
      %dma_wait3A_255 = tpu.memref_slice %arg3[%dma_wait3A_253, %dma_wait3A_254] : memref<100000x16xf32, #tpu.memory_space<hbm>> -> memref<72x16xf32, #tpu.memory_space<hbm>>
      %dma_wait3A_256 = arith.constant 128 : i32
      %dma_wait3A_257 = arith.constant 0 : i32
      %dma_wait3A_258 = tpu.memref_slice %arg6[%dma_wait3A_248, %dma_wait3A_256, %dma_wait3A_257] : memref<6x200x16xf32, #tpu.memory_space<vmem>> -> memref<1x72x16xf32, #tpu.memory_space<vmem>>
      %dma_wait3A_259 = tpu.memref_squeeze %dma_wait3A_258 : memref<1x72x16xf32, #tpu.memory_space<vmem>> -> memref<72x16xf32, #tpu.memory_space<vmem>>
      %dma_wait3A_260 = arith.constant 0 : i32
      %dma_wait3A_261 = arith.constant 0 : i32
      %dma_wait3A_262 = tpu.memref_slice %arg3[%dma_wait3A_260, %dma_wait3A_261] : memref<100000x16xf32, #tpu.memory_space<hbm>> -> memref<72x16xf32, #tpu.memory_space<hbm>>
      tpu.wait_dma2 semaphore(%arg8 : memref<!tpu.dma_semaphore, #tpu.memory_space<semaphore_mem>>) src(%dma_wait3A_262 : memref<72x16xf32, #tpu.memory_space<hbm>>) dst(%dma_wait3A_259 : memref<72x16xf32, #tpu.memory_space<vmem>>)
      %add3A_263 = arith.constant 0 : i32
      %add3A_264 = arith.addi %mul3A_232, %add3A_263 : i32
      %broadcast_in_dim3A_265 = arith.constant 0.000000e+00 : f32
      %broadcast_in_dim3A_266 = vector.broadcast %broadcast_in_dim3A_265 : f32 to vector<16xf32>
      %scan3A_267 = arith.constant 0 : i32
      %scan3A_268 = arith.constant 25 : i32
      %scan3A_269 = arith.addi %scan3A_267, %scan3A_268 : i32
      %scan3A_270 = arith.constant 1 : i32
      %scan3A_271:8 = scf.for %scan3A_597 = %scan3A_267 to %scan3A_269 step %scan3A_270 iter_args(%scan3A_598 = %broadcast_in_dim3A_266, %scan3A_599 = %broadcast_in_dim3A_266, %scan3A_600 = %broadcast_in_dim3A_266, %scan3A_601 = %broadcast_in_dim3A_266, %scan3A_602 = %broadcast_in_dim3A_266, %scan3A_603 = %broadcast_in_dim3A_266, %scan3A_604 = %broadcast_in_dim3A_266, %scan3A_605 = %broadcast_in_dim3A_266) -> (vector<16xf32>, vector<16xf32>, vector<16xf32>, vector<16xf32>, vector<16xf32>, vector<16xf32>, vector<16xf32>, vector<16xf32>)  : i32 {
        %mul3A_606 = arith.constant 8 : i32
        %mul3A_607 = arith.muli %scan3A_597, %mul3A_606 : i32
        %add3A_608 = arith.constant 0 : i32
        %add3A_609 = arith.addi %mul3A_607, %add3A_608 : i32
        %get3A = arith.constant 0 : i32
        %get3A_610 = arith.index_cast %get3A : i32 to index
        %get3A_611 = arith.index_cast %add3A_609 : i32 to index
        %get3A_612 = arith.constant 0 : index
        %get3A_613 = tpu.vector_load %arg6[%get3A_610, %get3A_611, %get3A_612] {strides = array<i32>} : memref<6x200x16xf32, #tpu.memory_space<vmem>>, vector<1x1x16xf32>,
        %get3A_614 = vector.shape_cast %get3A_613 : vector<1x1x16xf32> to vector<16xf32>
        %add3A_615 = arith.addf %scan3A_598, %get3A_614 : vector<16xf32>
        %add3A_616 = arith.constant 1 : i32
        %add3A_617 = arith.addi %mul3A_607, %add3A_616 : i32
        %get3A_618 = arith.constant 0 : i32
        %get3A_619 = arith.index_cast %get3A_618 : i32 to index
        %get3A_620 = arith.index_cast %add3A_617 : i32 to index
        %get3A_621 = arith.constant 0 : index
        %get3A_622 = tpu.vector_load %arg6[%get3A_619, %get3A_620, %get3A_621] {strides = array<i32>} : memref<6x200x16xf32, #tpu.memory_space<vmem>>, vector<1x1x16xf32>,
        %get3A_623 = vector.shape_cast %get3A_622 : vector<1x1x16xf32> to vector<16xf32>
        %add3A_624 = arith.addf %scan3A_599, %get3A_623 : vector<16xf32>
        %add3A_625 = arith.constant 2 : i32
        %add3A_626 = arith.addi %mul3A_607, %add3A_625 : i32
        %get3A_627 = arith.constant 0 : i32
        %get3A_628 = arith.index_cast %get3A_627 : i32 to index
        %get3A_629 = arith.index_cast %add3A_626 : i32 to index
        %get3A_630 = arith.constant 0 : index
        %get3A_631 = tpu.vector_load %arg6[%get3A_628, %get3A_629, %get3A_630] {strides = array<i32>} : memref<6x200x16xf32, #tpu.memory_space<vmem>>, vector<1x1x16xf32>,
        %get3A_632 = vector.shape_cast %get3A_631 : vector<1x1x16xf32> to vector<16xf32>
        %add3A_633 = arith.addf %scan3A_600, %get3A_632 : vector<16xf32>
        %add3A_634 = arith.constant 3 : i32
        %add3A_635 = arith.addi %mul3A_607, %add3A_634 : i32
        %get3A_636 = arith.constant 0 : i32
        %get3A_637 = arith.index_cast %get3A_636 : i32 to index
        %get3A_638 = arith.index_cast %add3A_635 : i32 to index
        %get3A_639 = arith.constant 0 : index
        %get3A_640 = tpu.vector_load %arg6[%get3A_637, %get3A_638, %get3A_639] {strides = array<i32>} : memref<6x200x16xf32, #tpu.memory_space<vmem>>, vector<1x1x16xf32>,
        %get3A_641 = vector.shape_cast %get3A_640 : vector<1x1x16xf32> to vector<16xf32>
        %add3A_642 = arith.addf %scan3A_601, %get3A_641 : vector<16xf32>
        %add3A_643 = arith.constant 4 : i32
        %add3A_644 = arith.addi %mul3A_607, %add3A_643 : i32
        %get3A_645 = arith.constant 0 : i32
        %get3A_646 = arith.index_cast %get3A_645 : i32 to index
        %get3A_647 = arith.index_cast %add3A_644 : i32 to index
        %get3A_648 = arith.constant 0 : index
        %get3A_649 = tpu.vector_load %arg6[%get3A_646, %get3A_647, %get3A_648] {strides = array<i32>} : memref<6x200x16xf32, #tpu.memory_space<vmem>>, vector<1x1x16xf32>,
        %get3A_650 = vector.shape_cast %get3A_649 : vector<1x1x16xf32> to vector<16xf32>
        %add3A_651 = arith.addf %scan3A_602, %get3A_650 : vector<16xf32>
        %add3A_652 = arith.constant 5 : i32
        %add3A_653 = arith.addi %mul3A_607, %add3A_652 : i32
        %get3A_654 = arith.constant 0 : i32
        %get3A_655 = arith.index_cast %get3A_654 : i32 to index
        %get3A_656 = arith.index_cast %add3A_653 : i32 to index
        %get3A_657 = arith.constant 0 : index
        %get3A_658 = tpu.vector_load %arg6[%get3A_655, %get3A_656, %get3A_657] {strides = array<i32>} : memref<6x200x16xf32, #tpu.memory_space<vmem>>, vector<1x1x16xf32>,
        %get3A_659 = vector.shape_cast %get3A_658 : vector<1x1x16xf32> to vector<16xf32>
        %add3A_660 = arith.addf %scan3A_603, %get3A_659 : vector<16xf32>
        %add3A_661 = arith.constant 6 : i32
        %add3A_662 = arith.addi %mul3A_607, %add3A_661 : i32
        %get3A_663 = arith.constant 0 : i32
        %get3A_664 = arith.index_cast %get3A_663 : i32 to index
        %get3A_665 = arith.index_cast %add3A_662 : i32 to index
        %get3A_666 = arith.constant 0 : index
        %get3A_667 = tpu.vector_load %arg6[%get3A_664, %get3A_665, %get3A_666] {strides = array<i32>} : memref<6x200x16xf32, #tpu.memory_space<vmem>>, vector<1x1x16xf32>,
        %get3A_668 = vector.shape_cast %get3A_667 : vector<1x1x16xf32> to vector<16xf32>
        %add3A_669 = arith.addf %scan3A_604, %get3A_668 : vector<16xf32>
        %add3A_670 = arith.constant 7 : i32
        %add3A_671 = arith.addi %mul3A_607, %add3A_670 : i32
        %get3A_672 = arith.constant 0 : i32
        %get3A_673 = arith.index_cast %get3A_672 : i32 to index
        %get3A_674 = arith.index_cast %add3A_671 : i32 to index
        %get3A_675 = arith.constant 0 : index
        %get3A_676 = tpu.vector_load %arg6[%get3A_673, %get3A_674, %get3A_675] {strides = array<i32>} : memref<6x200x16xf32, #tpu.memory_space<vmem>>, vector<1x1x16xf32>,
        %get3A_677 = vector.shape_cast %get3A_676 : vector<1x1x16xf32> to vector<16xf32>
        %add3A_678 = arith.addf %scan3A_605, %get3A_677 : vector<16xf32>
        scf.yield %add3A_615, %add3A_624, %add3A_633, %add3A_642, %add3A_651, %add3A_660, %add3A_669, %add3A_678 : vector<16xf32>, vector<16xf32>, vector<16xf32>, vector<16xf32>, vector<16xf32>, vector<16xf32>, vector<16xf32>, vector<16xf32>
      }
      %scan3A_272 = arith.constant 25 : i32
      %add3A_273 = arith.addf %scan3A_271#0, %scan3A_271#1 : vector<16xf32>
      %add3A_274 = arith.addf %add3A_273, %scan3A_271#2 : vector<16xf32>
      %add3A_275 = arith.addf %add3A_274, %scan3A_271#3 : vector<16xf32>
      %add3A_276 = arith.addf %add3A_275, %scan3A_271#4 : vector<16xf32>
      %add3A_277 = arith.addf %add3A_276, %scan3A_271#5 : vector<16xf32>
      %add3A_278 = arith.addf %add3A_277, %scan3A_271#6 : vector<16xf32>
      %add3A_279 = arith.addf %add3A_278, %scan3A_271#7 : vector<16xf32>
      %swap3A_280 = arith.index_cast %add3A_264 : i32 to index
      %swap3A_281 = arith.constant 0 : index
      %swap3A_282 = tpu.vector_load %arg7[%swap3A_280, %swap3A_281] {strides = array<i32>} : memref<128x16xf32, #tpu.memory_space<vmem>>, vector<1x16xf32>,
      %swap3A_283 = vector.shape_cast %swap3A_282 : vector<1x16xf32> to vector<16xf32>
      %swap3A_284 = vector.shape_cast %add3A_279 : vector<16xf32> to vector<1x16xf32>
      tpu.vector_store %arg7[%swap3A_280, %swap3A_281], %swap3A_284 {strides = array<i32>} : memref<128x16xf32, #tpu.memory_space<vmem>>, vector<1x16xf32>,
      %add3A_285 = arith.constant 0 : i32
      %add3A_286 = arith.addi %mul3A_232, %add3A_285 : i32
      %add3A_287 = arith.constant 6 : i32
      %add3A_288 = arith.addi %add3A_286, %add3A_287 : i32
      %lt3A = arith.constant 128 : i32
      %lt3A_289 = arith.cmpi slt, %add3A_288, %lt3A : i32
      %convert_element_type3A = arith.extui %lt3A_289 : i1 to i32
      %cond3A = arith.constant 0 : i32
      %cond3A_290 = arith.cmpi ne, %convert_element_type3A, %cond3A : i32
      scf.if %cond3A_290 {
        %add3A_597 = arith.constant 0 : i32
        %add3A_598 = arith.addi %mul3A_232, %add3A_597 : i32
        %add3A_599 = arith.constant 6 : i32
        %add3A_600 = arith.addi %add3A_598, %add3A_599 : i32
        %mul3A_601 = arith.constant 200 : i32
        %mul3A_602 = arith.muli %add3A_600, %mul3A_601 : i32
        %add3A_603 = arith.constant 0 : i32
        %add3A_604 = arith.addi %mul3A_602, %add3A_603 : i32
        %dma_start3A_605 = arith.constant 0 : i32
        %dma_start3A_606 = arith.constant 0 : i32
        %dma_start3A_607 = arith.constant 0 : i32
        %dma_start3A_608 = tpu.memref_slice %arg6[%dma_start3A_605, %dma_start3A_606, %dma_start3A_607] : memref<6x200x16xf32, #tpu.memory_space<vmem>> -> memref<1x128x16xf32, #tpu.memory_space<vmem>>
        %dma_start3A_609 = tpu.memref_squeeze %dma_start3A_608 : memref<1x128x16xf32, #tpu.memory_space<vmem>> -> memref<128x16xf32, #tpu.memory_space<vmem>>
        %dma_start3A_610 = tpu.memref_slice %arg5[%add3A_604] : memref<25600xi32, #tpu.memory_space<vmem>> -> memref<128xi32, #tpu.memory_space<vmem>>
        %dma_start3A_611 = arith.constant 0 : i32
        %dma_start3A_612 = arith.constant 0 : i32
        %dma_start3A_613 = tpu.memref_slice %arg3[%dma_start3A_611, %dma_start3A_612] : memref<100000x16xf32, #tpu.memory_space<hbm>> -> memref<100000x16xf32, #tpu.memory_space<hbm>>
        tpu.enqueue_indirect_dma source(%dma_start3A_613 : memref<100000x16xf32, #tpu.memory_space<hbm>>) target(%dma_start3A_609 : memref<128x16xf32, #tpu.memory_space<vmem>>) offsets(%dma_start3A_610 : memref<128xi32, #tpu.memory_space<vmem>>) semaphore(%arg8 : memref<!tpu.dma_semaphore, #tpu.memory_space<semaphore_mem>>)
        %mul3A_614 = arith.constant 200 : i32
        %mul3A_615 = arith.muli %add3A_600, %mul3A_614 : i32
        %add3A_616 = arith.constant 128 : i32
        %add3A_617 = arith.addi %mul3A_615, %add3A_616 : i32
        %dma_start3A_618 = arith.constant 0 : i32
        %dma_start3A_619 = arith.constant 128 : i32
        %dma_start3A_620 = arith.constant 0 : i32
        %dma_start3A_621 = tpu.memref_slice %arg6[%dma_start3A_618, %dma_start3A_619, %dma_start3A_620] : memref<6x200x16xf32, #tpu.memory_space<vmem>> -> memref<1x72x16xf32, #tpu.memory_space<vmem>>
        %dma_start3A_622 = tpu.memref_squeeze %dma_start3A_621 : memref<1x72x16xf32, #tpu.memory_space<vmem>> -> memref<72x16xf32, #tpu.memory_space<vmem>>
        %dma_start3A_623 = tpu.memref_slice %arg5[%add3A_617] : memref<25600xi32, #tpu.memory_space<vmem>> -> memref<72xi32, #tpu.memory_space<vmem>>
        %dma_start3A_624 = arith.constant 0 : i32
        %dma_start3A_625 = arith.constant 0 : i32
        %dma_start3A_626 = tpu.memref_slice %arg3[%dma_start3A_624, %dma_start3A_625] : memref<100000x16xf32, #tpu.memory_space<hbm>> -> memref<100000x16xf32, #tpu.memory_space<hbm>>
        tpu.enqueue_indirect_dma source(%dma_start3A_626 : memref<100000x16xf32, #tpu.memory_space<hbm>>) target(%dma_start3A_622 : memref<72x16xf32, #tpu.memory_space<vmem>>) offsets(%dma_start3A_623 : memref<72xi32, #tpu.memory_space<vmem>>) semaphore(%arg8 : memref<!tpu.dma_semaphore, #tpu.memory_space<semaphore_mem>>)
      } else {
      }
      %dma_wait3A_291 = arith.constant 1 : i32
      %dma_wait3A_292 = arith.constant 0 : i32
      %dma_wait3A_293 = arith.constant 0 : i32
      %dma_wait3A_294 = tpu.memref_slice %arg6[%dma_wait3A_291, %dma_wait3A_292, %dma_wait3A_293] : memref<6x200x16xf32, #tpu.memory_space<vmem>> -> memref<1x128x16xf32, #tpu.memory_space<vmem>>
      %dma_wait3A_295 = tpu.memref_squeeze %dma_wait3A_294 : memref<1x128x16xf32, #tpu.memory_space<vmem>> -> memref<128x16xf32, #tpu.memory_space<vmem>>
      %dma_wait3A_296 = arith.constant 0 : i32
      %dma_wait3A_297 = arith.constant 0 : i32
      %dma_wait3A_298 = tpu.memref_slice %arg3[%dma_wait3A_296, %dma_wait3A_297] : memref<100000x16xf32, #tpu.memory_space<hbm>> -> memref<128x16xf32, #tpu.memory_space<hbm>>
      %dma_wait3A_299 = arith.constant 0 : i32
      %dma_wait3A_300 = arith.constant 0 : i32
      %dma_wait3A_301 = tpu.memref_slice %arg6[%dma_wait3A_291, %dma_wait3A_299, %dma_wait3A_300] : memref<6x200x16xf32, #tpu.memory_space<vmem>> -> memref<1x128x16xf32, #tpu.memory_space<vmem>>
      %dma_wait3A_302 = tpu.memref_squeeze %dma_wait3A_301 : memref<1x128x16xf32, #tpu.memory_space<vmem>> -> memref<128x16xf32, #tpu.memory_space<vmem>>
      %dma_wait3A_303 = arith.constant 0 : i32
      %dma_wait3A_304 = arith.constant 0 : i32
      %dma_wait3A_305 = tpu.memref_slice %arg3[%dma_wait3A_303, %dma_wait3A_304] : memref<100000x16xf32, #tpu.memory_space<hbm>> -> memref<128x16xf32, #tpu.memory_space<hbm>>
      tpu.wait_dma2 semaphore(%arg9 : memref<!tpu.dma_semaphore, #tpu.memory_space<semaphore_mem>>) src(%dma_wait3A_305 : memref<128x16xf32, #tpu.memory_space<hbm>>) dst(%dma_wait3A_302 : memref<128x16xf32, #tpu.memory_space<vmem>>)
      %dma_wait3A_306 = arith.constant 1 : i32
      %dma_wait3A_307 = arith.constant 128 : i32
      %dma_wait3A_308 = arith.constant 0 : i32
      %dma_wait3A_309 = tpu.memref_slice %arg6[%dma_wait3A_306, %dma_wait3A_307, %dma_wait3A_308] : memref<6x200x16xf32, #tpu.memory_space<vmem>> -> memref<1x72x16xf32, #tpu.memory_space<vmem>>
      %dma_wait3A_310 = tpu.memref_squeeze %dma_wait3A_309 : memref<1x72x16xf32, #tpu.memory_space<vmem>> -> memref<72x16xf32, #tpu.memory_space<vmem>>
      %dma_wait3A_311 = arith.constant 0 : i32
      %dma_wait3A_312 = arith.constant 0 : i32
      %dma_wait3A_313 = tpu.memref_slice %arg3[%dma_wait3A_311, %dma_wait3A_312] : memref<100000x16xf32, #tpu.memory_space<hbm>> -> memref<72x16xf32, #tpu.memory_space<hbm>>
      %dma_wait3A_314 = arith.constant 128 : i32
      %dma_wait3A_315 = arith.constant 0 : i32
      %dma_wait3A_316 = tpu.memref_slice %arg6[%dma_wait3A_306, %dma_wait3A_314, %dma_wait3A_315] : memref<6x200x16xf32, #tpu.memory_space<vmem>> -> memref<1x72x16xf32, #tpu.memory_space<vmem>>
      %dma_wait3A_317 = tpu.memref_squeeze %dma_wait3A_316 : memref<1x72x16xf32, #tpu.memory_space<vmem>> -> memref<72x16xf32, #tpu.memory_space<vmem>>
      %dma_wait3A_318 = arith.constant 0 : i32
      %dma_wait3A_319 = arith.constant 0 : i32
      %dma_wait3A_320 = tpu.memref_slice %arg3[%dma_wait3A_318, %dma_wait3A_319] : memref<100000x16xf32, #tpu.memory_space<hbm>> -> memref<72x16xf32, #tpu.memory_space<hbm>>
      tpu.wait_dma2 semaphore(%arg9 : memref<!tpu.dma_semaphore, #tpu.memory_space<semaphore_mem>>) src(%dma_wait3A_320 : memref<72x16xf32, #tpu.memory_space<hbm>>) dst(%dma_wait3A_317 : memref<72x16xf32, #tpu.memory_space<vmem>>)
      %add3A_321 = arith.constant 1 : i32
      %add3A_322 = arith.addi %mul3A_232, %add3A_321 : i32
      %broadcast_in_dim3A_323 = arith.constant 0.000000e+00 : f32
      %broadcast_in_dim3A_324 = vector.broadcast %broadcast_in_dim3A_323 : f32 to vector<16xf32>
      %scan3A_325 = arith.constant 0 : i32
      %scan3A_326 = arith.constant 25 : i32
      %scan3A_327 = arith.addi %scan3A_325, %scan3A_326 : i32
      %scan3A_328 = arith.constant 1 : i32
      %scan3A_329:8 = scf.for %scan3A_597 = %scan3A_325 to %scan3A_327 step %scan3A_328 iter_args(%scan3A_598 = %broadcast_in_dim3A_324, %scan3A_599 = %broadcast_in_dim3A_324, %scan3A_600 = %broadcast_in_dim3A_324, %scan3A_601 = %broadcast_in_dim3A_324, %scan3A_602 = %broadcast_in_dim3A_324, %scan3A_603 = %broadcast_in_dim3A_324, %scan3A_604 = %broadcast_in_dim3A_324, %scan3A_605 = %broadcast_in_dim3A_324) -> (vector<16xf32>, vector<16xf32>, vector<16xf32>, vector<16xf32>, vector<16xf32>, vector<16xf32>, vector<16xf32>, vector<16xf32>)  : i32 {
        %mul3A_606 = arith.constant 8 : i32
        %mul3A_607 = arith.muli %scan3A_597, %mul3A_606 : i32
        %add3A_608 = arith.constant 0 : i32
        %add3A_609 = arith.addi %mul3A_607, %add3A_608 : i32
        %get3A = arith.constant 1 : i32
        %get3A_610 = arith.index_cast %get3A : i32 to index
        %get3A_611 = arith.index_cast %add3A_609 : i32 to index
        %get3A_612 = arith.constant 0 : index
        %get3A_613 = tpu.vector_load %arg6[%get3A_610, %get3A_611, %get3A_612] {strides = array<i32>} : memref<6x200x16xf32, #tpu.memory_space<vmem>>, vector<1x1x16xf32>,
        %get3A_614 = vector.shape_cast %get3A_613 : vector<1x1x16xf32> to vector<16xf32>
        %add3A_615 = arith.addf %scan3A_598, %get3A_614 : vector<16xf32>
        %add3A_616 = arith.constant 1 : i32
        %add3A_617 = arith.addi %mul3A_607, %add3A_616 : i32
        %get3A_618 = arith.constant 1 : i32
        %get3A_619 = arith.index_cast %get3A_618 : i32 to index
        %get3A_620 = arith.index_cast %add3A_617 : i32 to index
        %get3A_621 = arith.constant 0 : index
        %get3A_622 = tpu.vector_load %arg6[%get3A_619, %get3A_620, %get3A_621] {strides = array<i32>} : memref<6x200x16xf32, #tpu.memory_space<vmem>>, vector<1x1x16xf32>,
        %get3A_623 = vector.shape_cast %get3A_622 : vector<1x1x16xf32> to vector<16xf32>
        %add3A_624 = arith.addf %scan3A_599, %get3A_623 : vector<16xf32>
        %add3A_625 = arith.constant 2 : i32
        %add3A_626 = arith.addi %mul3A_607, %add3A_625 : i32
        %get3A_627 = arith.constant 1 : i32
        %get3A_628 = arith.index_cast %get3A_627 : i32 to index
        %get3A_629 = arith.index_cast %add3A_626 : i32 to index
        %get3A_630 = arith.constant 0 : index
        %get3A_631 = tpu.vector_load %arg6[%get3A_628, %get3A_629, %get3A_630] {strides = array<i32>} : memref<6x200x16xf32, #tpu.memory_space<vmem>>, vector<1x1x16xf32>,
        %get3A_632 = vector.shape_cast %get3A_631 : vector<1x1x16xf32> to vector<16xf32>
        %add3A_633 = arith.addf %scan3A_600, %get3A_632 : vector<16xf32>
        %add3A_634 = arith.constant 3 : i32
        %add3A_635 = arith.addi %mul3A_607, %add3A_634 : i32
        %get3A_636 = arith.constant 1 : i32
        %get3A_637 = arith.index_cast %get3A_636 : i32 to index
        %get3A_638 = arith.index_cast %add3A_635 : i32 to index
        %get3A_639 = arith.constant 0 : index
        %get3A_640 = tpu.vector_load %arg6[%get3A_637, %get3A_638, %get3A_639] {strides = array<i32>} : memref<6x200x16xf32, #tpu.memory_space<vmem>>, vector<1x1x16xf32>,
        %get3A_641 = vector.shape_cast %get3A_640 : vector<1x1x16xf32> to vector<16xf32>
        %add3A_642 = arith.addf %scan3A_601, %get3A_641 : vector<16xf32>
        %add3A_643 = arith.constant 4 : i32
        %add3A_644 = arith.addi %mul3A_607, %add3A_643 : i32
        %get3A_645 = arith.constant 1 : i32
        %get3A_646 = arith.index_cast %get3A_645 : i32 to index
        %get3A_647 = arith.index_cast %add3A_644 : i32 to index
        %get3A_648 = arith.constant 0 : index
        %get3A_649 = tpu.vector_load %arg6[%get3A_646, %get3A_647, %get3A_648] {strides = array<i32>} : memref<6x200x16xf32, #tpu.memory_space<vmem>>, vector<1x1x16xf32>,
        %get3A_650 = vector.shape_cast %get3A_649 : vector<1x1x16xf32> to vector<16xf32>
        %add3A_651 = arith.addf %scan3A_602, %get3A_650 : vector<16xf32>
        %add3A_652 = arith.constant 5 : i32
        %add3A_653 = arith.addi %mul3A_607, %add3A_652 : i32
        %get3A_654 = arith.constant 1 : i32
        %get3A_655 = arith.index_cast %get3A_654 : i32 to index
        %get3A_656 = arith.index_cast %add3A_653 : i32 to index
        %get3A_657 = arith.constant 0 : index
        %get3A_658 = tpu.vector_load %arg6[%get3A_655, %get3A_656, %get3A_657] {strides = array<i32>} : memref<6x200x16xf32, #tpu.memory_space<vmem>>, vector<1x1x16xf32>,
        %get3A_659 = vector.shape_cast %get3A_658 : vector<1x1x16xf32> to vector<16xf32>
        %add3A_660 = arith.addf %scan3A_603, %get3A_659 : vector<16xf32>
        %add3A_661 = arith.constant 6 : i32
        %add3A_662 = arith.addi %mul3A_607, %add3A_661 : i32
        %get3A_663 = arith.constant 1 : i32
        %get3A_664 = arith.index_cast %get3A_663 : i32 to index
        %get3A_665 = arith.index_cast %add3A_662 : i32 to index
        %get3A_666 = arith.constant 0 : index
        %get3A_667 = tpu.vector_load %arg6[%get3A_664, %get3A_665, %get3A_666] {strides = array<i32>} : memref<6x200x16xf32, #tpu.memory_space<vmem>>, vector<1x1x16xf32>,
        %get3A_668 = vector.shape_cast %get3A_667 : vector<1x1x16xf32> to vector<16xf32>
        %add3A_669 = arith.addf %scan3A_604, %get3A_668 : vector<16xf32>
        %add3A_670 = arith.constant 7 : i32
        %add3A_671 = arith.addi %mul3A_607, %add3A_670 : i32
        %get3A_672 = arith.constant 1 : i32
        %get3A_673 = arith.index_cast %get3A_672 : i32 to index
        %get3A_674 = arith.index_cast %add3A_671 : i32 to index
        %get3A_675 = arith.constant 0 : index
        %get3A_676 = tpu.vector_load %arg6[%get3A_673, %get3A_674, %get3A_675] {strides = array<i32>} : memref<6x200x16xf32, #tpu.memory_space<vmem>>, vector<1x1x16xf32>,
        %get3A_677 = vector.shape_cast %get3A_676 : vector<1x1x16xf32> to vector<16xf32>
        %add3A_678 = arith.addf %scan3A_605, %get3A_677 : vector<16xf32>
        scf.yield %add3A_615, %add3A_624, %add3A_633, %add3A_642, %add3A_651, %add3A_660, %add3A_669, %add3A_678 : vector<16xf32>, vector<16xf32>, vector<16xf32>, vector<16xf32>, vector<16xf32>, vector<16xf32>, vector<16xf32>, vector<16xf32>
      }
      %scan3A_330 = arith.constant 25 : i32
      %add3A_331 = arith.addf %scan3A_329#0, %scan3A_329#1 : vector<16xf32>
      %add3A_332 = arith.addf %add3A_331, %scan3A_329#2 : vector<16xf32>
      %add3A_333 = arith.addf %add3A_332, %scan3A_329#3 : vector<16xf32>
      %add3A_334 = arith.addf %add3A_333, %scan3A_329#4 : vector<16xf32>
      %add3A_335 = arith.addf %add3A_334, %scan3A_329#5 : vector<16xf32>
      %add3A_336 = arith.addf %add3A_335, %scan3A_329#6 : vector<16xf32>
      %add3A_337 = arith.addf %add3A_336, %scan3A_329#7 : vector<16xf32>
      %swap3A_338 = arith.index_cast %add3A_322 : i32 to index
      %swap3A_339 = arith.constant 0 : index
      %swap3A_340 = tpu.vector_load %arg7[%swap3A_338, %swap3A_339] {strides = array<i32>} : memref<128x16xf32, #tpu.memory_space<vmem>>, vector<1x16xf32>,
      %swap3A_341 = vector.shape_cast %swap3A_340 : vector<1x16xf32> to vector<16xf32>
      %swap3A_342 = vector.shape_cast %add3A_337 : vector<16xf32> to vector<1x16xf32>
      tpu.vector_store %arg7[%swap3A_338, %swap3A_339], %swap3A_342 {strides = array<i32>} : memref<128x16xf32, #tpu.memory_space<vmem>>, vector<1x16xf32>,
      %add3A_343 = arith.constant 1 : i32
      %add3A_344 = arith.addi %mul3A_232, %add3A_343 : i32
      %add3A_345 = arith.constant 6 : i32
      %add3A_346 = arith.addi %add3A_344, %add3A_345 : i32
      %lt3A_347 = arith.constant 128 : i32
      %lt3A_348 = arith.cmpi slt, %add3A_346, %lt3A_347 : i32
      %convert_element_type3A_349 = arith.extui %lt3A_348 : i1 to i32
      %cond3A_350 = arith.constant 0 : i32
      %cond3A_351 = arith.cmpi ne, %convert_element_type3A_349, %cond3A_350 : i32
      scf.if %cond3A_351 {
        %add3A_597 = arith.constant 1 : i32
        %add3A_598 = arith.addi %mul3A_232, %add3A_597 : i32
        %add3A_599 = arith.constant 6 : i32
        %add3A_600 = arith.addi %add3A_598, %add3A_599 : i32
        %mul3A_601 = arith.constant 200 : i32
        %mul3A_602 = arith.muli %add3A_600, %mul3A_601 : i32
        %add3A_603 = arith.constant 0 : i32
        %add3A_604 = arith.addi %mul3A_602, %add3A_603 : i32
        %dma_start3A_605 = arith.constant 1 : i32
        %dma_start3A_606 = arith.constant 0 : i32
        %dma_start3A_607 = arith.constant 0 : i32
        %dma_start3A_608 = tpu.memref_slice %arg6[%dma_start3A_605, %dma_start3A_606, %dma_start3A_607] : memref<6x200x16xf32, #tpu.memory_space<vmem>> -> memref<1x128x16xf32, #tpu.memory_space<vmem>>
        %dma_start3A_609 = tpu.memref_squeeze %dma_start3A_608 : memref<1x128x16xf32, #tpu.memory_space<vmem>> -> memref<128x16xf32, #tpu.memory_space<vmem>>
        %dma_start3A_610 = tpu.memref_slice %arg5[%add3A_604] : memref<25600xi32, #tpu.memory_space<vmem>> -> memref<128xi32, #tpu.memory_space<vmem>>
        %dma_start3A_611 = arith.constant 0 : i32
        %dma_start3A_612 = arith.constant 0 : i32
        %dma_start3A_613 = tpu.memref_slice %arg3[%dma_start3A_611, %dma_start3A_612] : memref<100000x16xf32, #tpu.memory_space<hbm>> -> memref<100000x16xf32, #tpu.memory_space<hbm>>
        tpu.enqueue_indirect_dma source(%dma_start3A_613 : memref<100000x16xf32, #tpu.memory_space<hbm>>) target(%dma_start3A_609 : memref<128x16xf32, #tpu.memory_space<vmem>>) offsets(%dma_start3A_610 : memref<128xi32, #tpu.memory_space<vmem>>) semaphore(%arg9 : memref<!tpu.dma_semaphore, #tpu.memory_space<semaphore_mem>>)
        %mul3A_614 = arith.constant 200 : i32
        %mul3A_615 = arith.muli %add3A_600, %mul3A_614 : i32
        %add3A_616 = arith.constant 128 : i32
        %add3A_617 = arith.addi %mul3A_615, %add3A_616 : i32
        %dma_start3A_618 = arith.constant 1 : i32
        %dma_start3A_619 = arith.constant 128 : i32
        %dma_start3A_620 = arith.constant 0 : i32
        %dma_start3A_621 = tpu.memref_slice %arg6[%dma_start3A_618, %dma_start3A_619, %dma_start3A_620] : memref<6x200x16xf32, #tpu.memory_space<vmem>> -> memref<1x72x16xf32, #tpu.memory_space<vmem>>
        %dma_start3A_622 = tpu.memref_squeeze %dma_start3A_621 : memref<1x72x16xf32, #tpu.memory_space<vmem>> -> memref<72x16xf32, #tpu.memory_space<vmem>>
        %dma_start3A_623 = tpu.memref_slice %arg5[%add3A_617] : memref<25600xi32, #tpu.memory_space<vmem>> -> memref<72xi32, #tpu.memory_space<vmem>>
        %dma_start3A_624 = arith.constant 0 : i32
        %dma_start3A_625 = arith.constant 0 : i32
        %dma_start3A_626 = tpu.memref_slice %arg3[%dma_start3A_624, %dma_start3A_625] : memref<100000x16xf32, #tpu.memory_space<hbm>> -> memref<100000x16xf32, #tpu.memory_space<hbm>>
        tpu.enqueue_indirect_dma source(%dma_start3A_626 : memref<100000x16xf32, #tpu.memory_space<hbm>>) target(%dma_start3A_622 : memref<72x16xf32, #tpu.memory_space<vmem>>) offsets(%dma_start3A_623 : memref<72xi32, #tpu.memory_space<vmem>>) semaphore(%arg9 : memref<!tpu.dma_semaphore, #tpu.memory_space<semaphore_mem>>)
      } else {
      }
      %dma_wait3A_352 = arith.constant 2 : i32
      %dma_wait3A_353 = arith.constant 0 : i32
      %dma_wait3A_354 = arith.constant 0 : i32
      %dma_wait3A_355 = tpu.memref_slice %arg6[%dma_wait3A_352, %dma_wait3A_353, %dma_wait3A_354] : memref<6x200x16xf32, #tpu.memory_space<vmem>> -> memref<1x128x16xf32, #tpu.memory_space<vmem>>
      %dma_wait3A_356 = tpu.memref_squeeze %dma_wait3A_355 : memref<1x128x16xf32, #tpu.memory_space<vmem>> -> memref<128x16xf32, #tpu.memory_space<vmem>>
      %dma_wait3A_357 = arith.constant 0 : i32
      %dma_wait3A_358 = arith.constant 0 : i32
      %dma_wait3A_359 = tpu.memref_slice %arg3[%dma_wait3A_357, %dma_wait3A_358] : memref<100000x16xf32, #tpu.memory_space<hbm>> -> memref<128x16xf32, #tpu.memory_space<hbm>>
      %dma_wait3A_360 = arith.constant 0 : i32
      %dma_wait3A_361 = arith.constant 0 : i32
      %dma_wait3A_362 = tpu.memref_slice %arg6[%dma_wait3A_352, %dma_wait3A_360, %dma_wait3A_361] : memref<6x200x16xf32, #tpu.memory_space<vmem>> -> memref<1x128x16xf32, #tpu.memory_space<vmem>>
      %dma_wait3A_363 = tpu.memref_squeeze %dma_wait3A_362 : memref<1x128x16xf32, #tpu.memory_space<vmem>> -> memref<128x16xf32, #tpu.memory_space<vmem>>
      %dma_wait3A_364 = arith.constant 0 : i32
      %dma_wait3A_365 = arith.constant 0 : i32
      %dma_wait3A_366 = tpu.memref_slice %arg3[%dma_wait3A_364, %dma_wait3A_365] : memref<100000x16xf32, #tpu.memory_space<hbm>> -> memref<128x16xf32, #tpu.memory_space<hbm>>
      tpu.wait_dma2 semaphore(%arg10 : memref<!tpu.dma_semaphore, #tpu.memory_space<semaphore_mem>>) src(%dma_wait3A_366 : memref<128x16xf32, #tpu.memory_space<hbm>>) dst(%dma_wait3A_363 : memref<128x16xf32, #tpu.memory_space<vmem>>)
      %dma_wait3A_367 = arith.constant 2 : i32
      %dma_wait3A_368 = arith.constant 128 : i32
      %dma_wait3A_369 = arith.constant 0 : i32
      %dma_wait3A_370 = tpu.memref_slice %arg6[%dma_wait3A_367, %dma_wait3A_368, %dma_wait3A_369] : memref<6x200x16xf32, #tpu.memory_space<vmem>> -> memref<1x72x16xf32, #tpu.memory_space<vmem>>
      %dma_wait3A_371 = tpu.memref_squeeze %dma_wait3A_370 : memref<1x72x16xf32, #tpu.memory_space<vmem>> -> memref<72x16xf32, #tpu.memory_space<vmem>>
      %dma_wait3A_372 = arith.constant 0 : i32
      %dma_wait3A_373 = arith.constant 0 : i32
      %dma_wait3A_374 = tpu.memref_slice %arg3[%dma_wait3A_372, %dma_wait3A_373] : memref<100000x16xf32, #tpu.memory_space<hbm>> -> memref<72x16xf32, #tpu.memory_space<hbm>>
      %dma_wait3A_375 = arith.constant 128 : i32
      %dma_wait3A_376 = arith.constant 0 : i32
      %dma_wait3A_377 = tpu.memref_slice %arg6[%dma_wait3A_367, %dma_wait3A_375, %dma_wait3A_376] : memref<6x200x16xf32, #tpu.memory_space<vmem>> -> memref<1x72x16xf32, #tpu.memory_space<vmem>>
      %dma_wait3A_378 = tpu.memref_squeeze %dma_wait3A_377 : memref<1x72x16xf32, #tpu.memory_space<vmem>> -> memref<72x16xf32, #tpu.memory_space<vmem>>
      %dma_wait3A_379 = arith.constant 0 : i32
      %dma_wait3A_380 = arith.constant 0 : i32
      %dma_wait3A_381 = tpu.memref_slice %arg3[%dma_wait3A_379, %dma_wait3A_380] : memref<100000x16xf32, #tpu.memory_space<hbm>> -> memref<72x16xf32, #tpu.memory_space<hbm>>
      tpu.wait_dma2 semaphore(%arg10 : memref<!tpu.dma_semaphore, #tpu.memory_space<semaphore_mem>>) src(%dma_wait3A_381 : memref<72x16xf32, #tpu.memory_space<hbm>>) dst(%dma_wait3A_378 : memref<72x16xf32, #tpu.memory_space<vmem>>)
      %add3A_382 = arith.constant 2 : i32
      %add3A_383 = arith.addi %mul3A_232, %add3A_382 : i32
      %broadcast_in_dim3A_384 = arith.constant 0.000000e+00 : f32
      %broadcast_in_dim3A_385 = vector.broadcast %broadcast_in_dim3A_384 : f32 to vector<16xf32>
      %scan3A_386 = arith.constant 0 : i32
      %scan3A_387 = arith.constant 25 : i32
      %scan3A_388 = arith.addi %scan3A_386, %scan3A_387 : i32
      %scan3A_389 = arith.constant 1 : i32
      %scan3A_390:8 = scf.for %scan3A_597 = %scan3A_386 to %scan3A_388 step %scan3A_389 iter_args(%scan3A_598 = %broadcast_in_dim3A_385, %scan3A_599 = %broadcast_in_dim3A_385, %scan3A_600 = %broadcast_in_dim3A_385, %scan3A_601 = %broadcast_in_dim3A_385, %scan3A_602 = %broadcast_in_dim3A_385, %scan3A_603 = %broadcast_in_dim3A_385, %scan3A_604 = %broadcast_in_dim3A_385, %scan3A_605 = %broadcast_in_dim3A_385) -> (vector<16xf32>, vector<16xf32>, vector<16xf32>, vector<16xf32>, vector<16xf32>, vector<16xf32>, vector<16xf32>, vector<16xf32>)  : i32 {
        %mul3A_606 = arith.constant 8 : i32
        %mul3A_607 = arith.muli %scan3A_597, %mul3A_606 : i32
        %add3A_608 = arith.constant 0 : i32
        %add3A_609 = arith.addi %mul3A_607, %add3A_608 : i32
        %get3A = arith.constant 2 : i32
        %get3A_610 = arith.index_cast %get3A : i32 to index
        %get3A_611 = arith.index_cast %add3A_609 : i32 to index
        %get3A_612 = arith.constant 0 : index
        %get3A_613 = tpu.vector_load %arg6[%get3A_610, %get3A_611, %get3A_612] {strides = array<i32>} : memref<6x200x16xf32, #tpu.memory_space<vmem>>, vector<1x1x16xf32>,
        %get3A_614 = vector.shape_cast %get3A_613 : vector<1x1x16xf32> to vector<16xf32>
        %add3A_615 = arith.addf %scan3A_598, %get3A_614 : vector<16xf32>
        %add3A_616 = arith.constant 1 : i32
        %add3A_617 = arith.addi %mul3A_607, %add3A_616 : i32
        %get3A_618 = arith.constant 2 : i32
        %get3A_619 = arith.index_cast %get3A_618 : i32 to index
        %get3A_620 = arith.index_cast %add3A_617 : i32 to index
        %get3A_621 = arith.constant 0 : index
        %get3A_622 = tpu.vector_load %arg6[%get3A_619, %get3A_620, %get3A_621] {strides = array<i32>} : memref<6x200x16xf32, #tpu.memory_space<vmem>>, vector<1x1x16xf32>,
        %get3A_623 = vector.shape_cast %get3A_622 : vector<1x1x16xf32> to vector<16xf32>
        %add3A_624 = arith.addf %scan3A_599, %get3A_623 : vector<16xf32>
        %add3A_625 = arith.constant 2 : i32
        %add3A_626 = arith.addi %mul3A_607, %add3A_625 : i32
        %get3A_627 = arith.constant 2 : i32
        %get3A_628 = arith.index_cast %get3A_627 : i32 to index
        %get3A_629 = arith.index_cast %add3A_626 : i32 to index
        %get3A_630 = arith.constant 0 : index
        %get3A_631 = tpu.vector_load %arg6[%get3A_628, %get3A_629, %get3A_630] {strides = array<i32>} : memref<6x200x16xf32, #tpu.memory_space<vmem>>, vector<1x1x16xf32>,
        %get3A_632 = vector.shape_cast %get3A_631 : vector<1x1x16xf32> to vector<16xf32>
        %add3A_633 = arith.addf %scan3A_600, %get3A_632 : vector<16xf32>
        %add3A_634 = arith.constant 3 : i32
        %add3A_635 = arith.addi %mul3A_607, %add3A_634 : i32
        %get3A_636 = arith.constant 2 : i32
        %get3A_637 = arith.index_cast %get3A_636 : i32 to index
        %get3A_638 = arith.index_cast %add3A_635 : i32 to index
        %get3A_639 = arith.constant 0 : index
        %get3A_640 = tpu.vector_load %arg6[%get3A_637, %get3A_638, %get3A_639] {strides = array<i32>} : memref<6x200x16xf32, #tpu.memory_space<vmem>>, vector<1x1x16xf32>,
        %get3A_641 = vector.shape_cast %get3A_640 : vector<1x1x16xf32> to vector<16xf32>
        %add3A_642 = arith.addf %scan3A_601, %get3A_641 : vector<16xf32>
        %add3A_643 = arith.constant 4 : i32
        %add3A_644 = arith.addi %mul3A_607, %add3A_643 : i32
        %get3A_645 = arith.constant 2 : i32
        %get3A_646 = arith.index_cast %get3A_645 : i32 to index
        %get3A_647 = arith.index_cast %add3A_644 : i32 to index
        %get3A_648 = arith.constant 0 : index
        %get3A_649 = tpu.vector_load %arg6[%get3A_646, %get3A_647, %get3A_648] {strides = array<i32>} : memref<6x200x16xf32, #tpu.memory_space<vmem>>, vector<1x1x16xf32>,
        %get3A_650 = vector.shape_cast %get3A_649 : vector<1x1x16xf32> to vector<16xf32>
        %add3A_651 = arith.addf %scan3A_602, %get3A_650 : vector<16xf32>
        %add3A_652 = arith.constant 5 : i32
        %add3A_653 = arith.addi %mul3A_607, %add3A_652 : i32
        %get3A_654 = arith.constant 2 : i32
        %get3A_655 = arith.index_cast %get3A_654 : i32 to index
        %get3A_656 = arith.index_cast %add3A_653 : i32 to index
        %get3A_657 = arith.constant 0 : index
        %get3A_658 = tpu.vector_load %arg6[%get3A_655, %get3A_656, %get3A_657] {strides = array<i32>} : memref<6x200x16xf32, #tpu.memory_space<vmem>>, vector<1x1x16xf32>,
        %get3A_659 = vector.shape_cast %get3A_658 : vector<1x1x16xf32> to vector<16xf32>
        %add3A_660 = arith.addf %scan3A_603, %get3A_659 : vector<16xf32>
        %add3A_661 = arith.constant 6 : i32
        %add3A_662 = arith.addi %mul3A_607, %add3A_661 : i32
        %get3A_663 = arith.constant 2 : i32
        %get3A_664 = arith.index_cast %get3A_663 : i32 to index
        %get3A_665 = arith.index_cast %add3A_662 : i32 to index
        %get3A_666 = arith.constant 0 : index
        %get3A_667 = tpu.vector_load %arg6[%get3A_664, %get3A_665, %get3A_666] {strides = array<i32>} : memref<6x200x16xf32, #tpu.memory_space<vmem>>, vector<1x1x16xf32>,
        %get3A_668 = vector.shape_cast %get3A_667 : vector<1x1x16xf32> to vector<16xf32>
        %add3A_669 = arith.addf %scan3A_604, %get3A_668 : vector<16xf32>
        %add3A_670 = arith.constant 7 : i32
        %add3A_671 = arith.addi %mul3A_607, %add3A_670 : i32
        %get3A_672 = arith.constant 2 : i32
        %get3A_673 = arith.index_cast %get3A_672 : i32 to index
        %get3A_674 = arith.index_cast %add3A_671 : i32 to index
        %get3A_675 = arith.constant 0 : index
        %get3A_676 = tpu.vector_load %arg6[%get3A_673, %get3A_674, %get3A_675] {strides = array<i32>} : memref<6x200x16xf32, #tpu.memory_space<vmem>>, vector<1x1x16xf32>,
        %get3A_677 = vector.shape_cast %get3A_676 : vector<1x1x16xf32> to vector<16xf32>
        %add3A_678 = arith.addf %scan3A_605, %get3A_677 : vector<16xf32>
        scf.yield %add3A_615, %add3A_624, %add3A_633, %add3A_642, %add3A_651, %add3A_660, %add3A_669, %add3A_678 : vector<16xf32>, vector<16xf32>, vector<16xf32>, vector<16xf32>, vector<16xf32>, vector<16xf32>, vector<16xf32>, vector<16xf32>
      }
      %scan3A_391 = arith.constant 25 : i32
      %add3A_392 = arith.addf %scan3A_390#0, %scan3A_390#1 : vector<16xf32>
      %add3A_393 = arith.addf %add3A_392, %scan3A_390#2 : vector<16xf32>
      %add3A_394 = arith.addf %add3A_393, %scan3A_390#3 : vector<16xf32>
      %add3A_395 = arith.addf %add3A_394, %scan3A_390#4 : vector<16xf32>
      %add3A_396 = arith.addf %add3A_395, %scan3A_390#5 : vector<16xf32>
      %add3A_397 = arith.addf %add3A_396, %scan3A_390#6 : vector<16xf32>
      %add3A_398 = arith.addf %add3A_397, %scan3A_390#7 : vector<16xf32>
      %swap3A_399 = arith.index_cast %add3A_383 : i32 to index
      %swap3A_400 = arith.constant 0 : index
      %swap3A_401 = tpu.vector_load %arg7[%swap3A_399, %swap3A_400] {strides = array<i32>} : memref<128x16xf32, #tpu.memory_space<vmem>>, vector<1x16xf32>,
      %swap3A_402 = vector.shape_cast %swap3A_401 : vector<1x16xf32> to vector<16xf32>
      %swap3A_403 = vector.shape_cast %add3A_398 : vector<16xf32> to vector<1x16xf32>
      tpu.vector_store %arg7[%swap3A_399, %swap3A_400], %swap3A_403 {strides = array<i32>} : memref<128x16xf32, #tpu.memory_space<vmem>>, vector<1x16xf32>,
      %add3A_404 = arith.constant 2 : i32
      %add3A_405 = arith.addi %mul3A_232, %add3A_404 : i32
      %add3A_406 = arith.constant 6 : i32
      %add3A_407 = arith.addi %add3A_405, %add3A_406 : i32
      %lt3A_408 = arith.constant 128 : i32
      %lt3A_409 = arith.cmpi slt, %add3A_407, %lt3A_408 : i32
      %convert_element_type3A_410 = arith.extui %lt3A_409 : i1 to i32
      %cond3A_411 = arith.constant 0 : i32
      %cond3A_412 = arith.cmpi ne, %convert_element_type3A_410, %cond3A_411 : i32
      scf.if %cond3A_412 {
        %add3A_597 = arith.constant 2 : i32
        %add3A_598 = arith.addi %mul3A_232, %add3A_597 : i32
        %add3A_599 = arith.constant 6 : i32
        %add3A_600 = arith.addi %add3A_598, %add3A_599 : i32
        %mul3A_601 = arith.constant 200 : i32
        %mul3A_602 = arith.muli %add3A_600, %mul3A_601 : i32
        %add3A_603 = arith.constant 0 : i32
        %add3A_604 = arith.addi %mul3A_602, %add3A_603 : i32
        %dma_start3A_605 = arith.constant 2 : i32
        %dma_start3A_606 = arith.constant 0 : i32
        %dma_start3A_607 = arith.constant 0 : i32
        %dma_start3A_608 = tpu.memref_slice %arg6[%dma_start3A_605, %dma_start3A_606, %dma_start3A_607] : memref<6x200x16xf32, #tpu.memory_space<vmem>> -> memref<1x128x16xf32, #tpu.memory_space<vmem>>
        %dma_start3A_609 = tpu.memref_squeeze %dma_start3A_608 : memref<1x128x16xf32, #tpu.memory_space<vmem>> -> memref<128x16xf32, #tpu.memory_space<vmem>>
        %dma_start3A_610 = tpu.memref_slice %arg5[%add3A_604] : memref<25600xi32, #tpu.memory_space<vmem>> -> memref<128xi32, #tpu.memory_space<vmem>>
        %dma_start3A_611 = arith.constant 0 : i32
        %dma_start3A_612 = arith.constant 0 : i32
        %dma_start3A_613 = tpu.memref_slice %arg3[%dma_start3A_611, %dma_start3A_612] : memref<100000x16xf32, #tpu.memory_space<hbm>> -> memref<100000x16xf32, #tpu.memory_space<hbm>>
        tpu.enqueue_indirect_dma source(%dma_start3A_613 : memref<100000x16xf32, #tpu.memory_space<hbm>>) target(%dma_start3A_609 : memref<128x16xf32, #tpu.memory_space<vmem>>) offsets(%dma_start3A_610 : memref<128xi32, #tpu.memory_space<vmem>>) semaphore(%arg10 : memref<!tpu.dma_semaphore, #tpu.memory_space<semaphore_mem>>)
        %mul3A_614 = arith.constant 200 : i32
        %mul3A_615 = arith.muli %add3A_600, %mul3A_614 : i32
        %add3A_616 = arith.constant 128 : i32
        %add3A_617 = arith.addi %mul3A_615, %add3A_616 : i32
        %dma_start3A_618 = arith.constant 2 : i32
        %dma_start3A_619 = arith.constant 128 : i32
        %dma_start3A_620 = arith.constant 0 : i32
        %dma_start3A_621 = tpu.memref_slice %arg6[%dma_start3A_618, %dma_start3A_619, %dma_start3A_620] : memref<6x200x16xf32, #tpu.memory_space<vmem>> -> memref<1x72x16xf32, #tpu.memory_space<vmem>>
        %dma_start3A_622 = tpu.memref_squeeze %dma_start3A_621 : memref<1x72x16xf32, #tpu.memory_space<vmem>> -> memref<72x16xf32, #tpu.memory_space<vmem>>
        %dma_start3A_623 = tpu.memref_slice %arg5[%add3A_617] : memref<25600xi32, #tpu.memory_space<vmem>> -> memref<72xi32, #tpu.memory_space<vmem>>
        %dma_start3A_624 = arith.constant 0 : i32
        %dma_start3A_625 = arith.constant 0 : i32
        %dma_start3A_626 = tpu.memref_slice %arg3[%dma_start3A_624, %dma_start3A_625] : memref<100000x16xf32, #tpu.memory_space<hbm>> -> memref<100000x16xf32, #tpu.memory_space<hbm>>
        tpu.enqueue_indirect_dma source(%dma_start3A_626 : memref<100000x16xf32, #tpu.memory_space<hbm>>) target(%dma_start3A_622 : memref<72x16xf32, #tpu.memory_space<vmem>>) offsets(%dma_start3A_623 : memref<72xi32, #tpu.memory_space<vmem>>) semaphore(%arg10 : memref<!tpu.dma_semaphore, #tpu.memory_space<semaphore_mem>>)
      } else {
      }
      %dma_wait3A_413 = arith.constant 3 : i32
      %dma_wait3A_414 = arith.constant 0 : i32
      %dma_wait3A_415 = arith.constant 0 : i32
      %dma_wait3A_416 = tpu.memref_slice %arg6[%dma_wait3A_413, %dma_wait3A_414, %dma_wait3A_415] : memref<6x200x16xf32, #tpu.memory_space<vmem>> -> memref<1x128x16xf32, #tpu.memory_space<vmem>>
      %dma_wait3A_417 = tpu.memref_squeeze %dma_wait3A_416 : memref<1x128x16xf32, #tpu.memory_space<vmem>> -> memref<128x16xf32, #tpu.memory_space<vmem>>
      %dma_wait3A_418 = arith.constant 0 : i32
      %dma_wait3A_419 = arith.constant 0 : i32
      %dma_wait3A_420 = tpu.memref_slice %arg3[%dma_wait3A_418, %dma_wait3A_419] : memref<100000x16xf32, #tpu.memory_space<hbm>> -> memref<128x16xf32, #tpu.memory_space<hbm>>
      %dma_wait3A_421 = arith.constant 0 : i32
      %dma_wait3A_422 = arith.constant 0 : i32
      %dma_wait3A_423 = tpu.memref_slice %arg6[%dma_wait3A_413, %dma_wait3A_421, %dma_wait3A_422] : memref<6x200x16xf32, #tpu.memory_space<vmem>> -> memref<1x128x16xf32, #tpu.memory_space<vmem>>
      %dma_wait3A_424 = tpu.memref_squeeze %dma_wait3A_423 : memref<1x128x16xf32, #tpu.memory_space<vmem>> -> memref<128x16xf32, #tpu.memory_space<vmem>>
      %dma_wait3A_425 = arith.constant 0 : i32
      %dma_wait3A_426 = arith.constant 0 : i32
      %dma_wait3A_427 = tpu.memref_slice %arg3[%dma_wait3A_425, %dma_wait3A_426] : memref<100000x16xf32, #tpu.memory_space<hbm>> -> memref<128x16xf32, #tpu.memory_space<hbm>>
      tpu.wait_dma2 semaphore(%arg11 : memref<!tpu.dma_semaphore, #tpu.memory_space<semaphore_mem>>) src(%dma_wait3A_427 : memref<128x16xf32, #tpu.memory_space<hbm>>) dst(%dma_wait3A_424 : memref<128x16xf32, #tpu.memory_space<vmem>>)
      %dma_wait3A_428 = arith.constant 3 : i32
      %dma_wait3A_429 = arith.constant 128 : i32
      %dma_wait3A_430 = arith.constant 0 : i32
      %dma_wait3A_431 = tpu.memref_slice %arg6[%dma_wait3A_428, %dma_wait3A_429, %dma_wait3A_430] : memref<6x200x16xf32, #tpu.memory_space<vmem>> -> memref<1x72x16xf32, #tpu.memory_space<vmem>>
      %dma_wait3A_432 = tpu.memref_squeeze %dma_wait3A_431 : memref<1x72x16xf32, #tpu.memory_space<vmem>> -> memref<72x16xf32, #tpu.memory_space<vmem>>
      %dma_wait3A_433 = arith.constant 0 : i32
      %dma_wait3A_434 = arith.constant 0 : i32
      %dma_wait3A_435 = tpu.memref_slice %arg3[%dma_wait3A_433, %dma_wait3A_434] : memref<100000x16xf32, #tpu.memory_space<hbm>> -> memref<72x16xf32, #tpu.memory_space<hbm>>
      %dma_wait3A_436 = arith.constant 128 : i32
      %dma_wait3A_437 = arith.constant 0 : i32
      %dma_wait3A_438 = tpu.memref_slice %arg6[%dma_wait3A_428, %dma_wait3A_436, %dma_wait3A_437] : memref<6x200x16xf32, #tpu.memory_space<vmem>> -> memref<1x72x16xf32, #tpu.memory_space<vmem>>
      %dma_wait3A_439 = tpu.memref_squeeze %dma_wait3A_438 : memref<1x72x16xf32, #tpu.memory_space<vmem>> -> memref<72x16xf32, #tpu.memory_space<vmem>>
      %dma_wait3A_440 = arith.constant 0 : i32
      %dma_wait3A_441 = arith.constant 0 : i32
      %dma_wait3A_442 = tpu.memref_slice %arg3[%dma_wait3A_440, %dma_wait3A_441] : memref<100000x16xf32, #tpu.memory_space<hbm>> -> memref<72x16xf32, #tpu.memory_space<hbm>>
      tpu.wait_dma2 semaphore(%arg11 : memref<!tpu.dma_semaphore, #tpu.memory_space<semaphore_mem>>) src(%dma_wait3A_442 : memref<72x16xf32, #tpu.memory_space<hbm>>) dst(%dma_wait3A_439 : memref<72x16xf32, #tpu.memory_space<vmem>>)
      %add3A_443 = arith.constant 3 : i32
      %add3A_444 = arith.addi %mul3A_232, %add3A_443 : i32
      %broadcast_in_dim3A_445 = arith.constant 0.000000e+00 : f32
      %broadcast_in_dim3A_446 = vector.broadcast %broadcast_in_dim3A_445 : f32 to vector<16xf32>
      %scan3A_447 = arith.constant 0 : i32
      %scan3A_448 = arith.constant 25 : i32
      %scan3A_449 = arith.addi %scan3A_447, %scan3A_448 : i32
      %scan3A_450 = arith.constant 1 : i32
      %scan3A_451:8 = scf.for %scan3A_597 = %scan3A_447 to %scan3A_449 step %scan3A_450 iter_args(%scan3A_598 = %broadcast_in_dim3A_446, %scan3A_599 = %broadcast_in_dim3A_446, %scan3A_600 = %broadcast_in_dim3A_446, %scan3A_601 = %broadcast_in_dim3A_446, %scan3A_602 = %broadcast_in_dim3A_446, %scan3A_603 = %broadcast_in_dim3A_446, %scan3A_604 = %broadcast_in_dim3A_446, %scan3A_605 = %broadcast_in_dim3A_446) -> (vector<16xf32>, vector<16xf32>, vector<16xf32>, vector<16xf32>, vector<16xf32>, vector<16xf32>, vector<16xf32>, vector<16xf32>)  : i32 {
        %mul3A_606 = arith.constant 8 : i32
        %mul3A_607 = arith.muli %scan3A_597, %mul3A_606 : i32
        %add3A_608 = arith.constant 0 : i32
        %add3A_609 = arith.addi %mul3A_607, %add3A_608 : i32
        %get3A = arith.constant 3 : i32
        %get3A_610 = arith.index_cast %get3A : i32 to index
        %get3A_611 = arith.index_cast %add3A_609 : i32 to index
        %get3A_612 = arith.constant 0 : index
        %get3A_613 = tpu.vector_load %arg6[%get3A_610, %get3A_611, %get3A_612] {strides = array<i32>} : memref<6x200x16xf32, #tpu.memory_space<vmem>>, vector<1x1x16xf32>,
        %get3A_614 = vector.shape_cast %get3A_613 : vector<1x1x16xf32> to vector<16xf32>
        %add3A_615 = arith.addf %scan3A_598, %get3A_614 : vector<16xf32>
        %add3A_616 = arith.constant 1 : i32
        %add3A_617 = arith.addi %mul3A_607, %add3A_616 : i32
        %get3A_618 = arith.constant 3 : i32
        %get3A_619 = arith.index_cast %get3A_618 : i32 to index
        %get3A_620 = arith.index_cast %add3A_617 : i32 to index
        %get3A_621 = arith.constant 0 : index
        %get3A_622 = tpu.vector_load %arg6[%get3A_619, %get3A_620, %get3A_621] {strides = array<i32>} : memref<6x200x16xf32, #tpu.memory_space<vmem>>, vector<1x1x16xf32>,
        %get3A_623 = vector.shape_cast %get3A_622 : vector<1x1x16xf32> to vector<16xf32>
        %add3A_624 = arith.addf %scan3A_599, %get3A_623 : vector<16xf32>
        %add3A_625 = arith.constant 2 : i32
        %add3A_626 = arith.addi %mul3A_607, %add3A_625 : i32
        %get3A_627 = arith.constant 3 : i32
        %get3A_628 = arith.index_cast %get3A_627 : i32 to index
        %get3A_629 = arith.index_cast %add3A_626 : i32 to index
        %get3A_630 = arith.constant 0 : index
        %get3A_631 = tpu.vector_load %arg6[%get3A_628, %get3A_629, %get3A_630] {strides = array<i32>} : memref<6x200x16xf32, #tpu.memory_space<vmem>>, vector<1x1x16xf32>,
        %get3A_632 = vector.shape_cast %get3A_631 : vector<1x1x16xf32> to vector<16xf32>
        %add3A_633 = arith.addf %scan3A_600, %get3A_632 : vector<16xf32>
        %add3A_634 = arith.constant 3 : i32
        %add3A_635 = arith.addi %mul3A_607, %add3A_634 : i32
        %get3A_636 = arith.constant 3 : i32
        %get3A_637 = arith.index_cast %get3A_636 : i32 to index
        %get3A_638 = arith.index_cast %add3A_635 : i32 to index
        %get3A_639 = arith.constant 0 : index
        %get3A_640 = tpu.vector_load %arg6[%get3A_637, %get3A_638, %get3A_639] {strides = array<i32>} : memref<6x200x16xf32, #tpu.memory_space<vmem>>, vector<1x1x16xf32>,
        %get3A_641 = vector.shape_cast %get3A_640 : vector<1x1x16xf32> to vector<16xf32>
        %add3A_642 = arith.addf %scan3A_601, %get3A_641 : vector<16xf32>
        %add3A_643 = arith.constant 4 : i32
        %add3A_644 = arith.addi %mul3A_607, %add3A_643 : i32
        %get3A_645 = arith.constant 3 : i32
        %get3A_646 = arith.index_cast %get3A_645 : i32 to index
        %get3A_647 = arith.index_cast %add3A_644 : i32 to index
        %get3A_648 = arith.constant 0 : index
        %get3A_649 = tpu.vector_load %arg6[%get3A_646, %get3A_647, %get3A_648] {strides = array<i32>} : memref<6x200x16xf32, #tpu.memory_space<vmem>>, vector<1x1x16xf32>,
        %get3A_650 = vector.shape_cast %get3A_649 : vector<1x1x16xf32> to vector<16xf32>
        %add3A_651 = arith.addf %scan3A_602, %get3A_650 : vector<16xf32>
        %add3A_652 = arith.constant 5 : i32
        %add3A_653 = arith.addi %mul3A_607, %add3A_652 : i32
        %get3A_654 = arith.constant 3 : i32
        %get3A_655 = arith.index_cast %get3A_654 : i32 to index
        %get3A_656 = arith.index_cast %add3A_653 : i32 to index
        %get3A_657 = arith.constant 0 : index
        %get3A_658 = tpu.vector_load %arg6[%get3A_655, %get3A_656, %get3A_657] {strides = array<i32>} : memref<6x200x16xf32, #tpu.memory_space<vmem>>, vector<1x1x16xf32>,
        %get3A_659 = vector.shape_cast %get3A_658 : vector<1x1x16xf32> to vector<16xf32>
        %add3A_660 = arith.addf %scan3A_603, %get3A_659 : vector<16xf32>
        %add3A_661 = arith.constant 6 : i32
        %add3A_662 = arith.addi %mul3A_607, %add3A_661 : i32
        %get3A_663 = arith.constant 3 : i32
        %get3A_664 = arith.index_cast %get3A_663 : i32 to index
        %get3A_665 = arith.index_cast %add3A_662 : i32 to index
        %get3A_666 = arith.constant 0 : index
        %get3A_667 = tpu.vector_load %arg6[%get3A_664, %get3A_665, %get3A_666] {strides = array<i32>} : memref<6x200x16xf32, #tpu.memory_space<vmem>>, vector<1x1x16xf32>,
        %get3A_668 = vector.shape_cast %get3A_667 : vector<1x1x16xf32> to vector<16xf32>
        %add3A_669 = arith.addf %scan3A_604, %get3A_668 : vector<16xf32>
        %add3A_670 = arith.constant 7 : i32
        %add3A_671 = arith.addi %mul3A_607, %add3A_670 : i32
        %get3A_672 = arith.constant 3 : i32
        %get3A_673 = arith.index_cast %get3A_672 : i32 to index
        %get3A_674 = arith.index_cast %add3A_671 : i32 to index
        %get3A_675 = arith.constant 0 : index
        %get3A_676 = tpu.vector_load %arg6[%get3A_673, %get3A_674, %get3A_675] {strides = array<i32>} : memref<6x200x16xf32, #tpu.memory_space<vmem>>, vector<1x1x16xf32>,
        %get3A_677 = vector.shape_cast %get3A_676 : vector<1x1x16xf32> to vector<16xf32>
        %add3A_678 = arith.addf %scan3A_605, %get3A_677 : vector<16xf32>
        scf.yield %add3A_615, %add3A_624, %add3A_633, %add3A_642, %add3A_651, %add3A_660, %add3A_669, %add3A_678 : vector<16xf32>, vector<16xf32>, vector<16xf32>, vector<16xf32>, vector<16xf32>, vector<16xf32>, vector<16xf32>, vector<16xf32>
      }
      %scan3A_452 = arith.constant 25 : i32
      %add3A_453 = arith.addf %scan3A_451#0, %scan3A_451#1 : vector<16xf32>
      %add3A_454 = arith.addf %add3A_453, %scan3A_451#2 : vector<16xf32>
      %add3A_455 = arith.addf %add3A_454, %scan3A_451#3 : vector<16xf32>
      %add3A_456 = arith.addf %add3A_455, %scan3A_451#4 : vector<16xf32>
      %add3A_457 = arith.addf %add3A_456, %scan3A_451#5 : vector<16xf32>
      %add3A_458 = arith.addf %add3A_457, %scan3A_451#6 : vector<16xf32>
      %add3A_459 = arith.addf %add3A_458, %scan3A_451#7 : vector<16xf32>
      %swap3A_460 = arith.index_cast %add3A_444 : i32 to index
      %swap3A_461 = arith.constant 0 : index
      %swap3A_462 = tpu.vector_load %arg7[%swap3A_460, %swap3A_461] {strides = array<i32>} : memref<128x16xf32, #tpu.memory_space<vmem>>, vector<1x16xf32>,
      %swap3A_463 = vector.shape_cast %swap3A_462 : vector<1x16xf32> to vector<16xf32>
      %swap3A_464 = vector.shape_cast %add3A_459 : vector<16xf32> to vector<1x16xf32>
      tpu.vector_store %arg7[%swap3A_460, %swap3A_461], %swap3A_464 {strides = array<i32>} : memref<128x16xf32, #tpu.memory_space<vmem>>, vector<1x16xf32>,
      %add3A_465 = arith.constant 3 : i32
      %add3A_466 = arith.addi %mul3A_232, %add3A_465 : i32
      %add3A_467 = arith.constant 6 : i32
      %add3A_468 = arith.addi %add3A_466, %add3A_467 : i32
      %lt3A_469 = arith.constant 128 : i32
      %lt3A_470 = arith.cmpi slt, %add3A_468, %lt3A_469 : i32
      %convert_element_type3A_471 = arith.extui %lt3A_470 : i1 to i32
      %cond3A_472 = arith.constant 0 : i32
      %cond3A_473 = arith.cmpi ne, %convert_element_type3A_471, %cond3A_472 : i32
      scf.if %cond3A_473 {
        %add3A_597 = arith.constant 3 : i32
        %add3A_598 = arith.addi %mul3A_232, %add3A_597 : i32
        %add3A_599 = arith.constant 6 : i32
        %add3A_600 = arith.addi %add3A_598, %add3A_599 : i32
        %mul3A_601 = arith.constant 200 : i32
        %mul3A_602 = arith.muli %add3A_600, %mul3A_601 : i32
        %add3A_603 = arith.constant 0 : i32
        %add3A_604 = arith.addi %mul3A_602, %add3A_603 : i32
        %dma_start3A_605 = arith.constant 3 : i32
        %dma_start3A_606 = arith.constant 0 : i32
        %dma_start3A_607 = arith.constant 0 : i32
        %dma_start3A_608 = tpu.memref_slice %arg6[%dma_start3A_605, %dma_start3A_606, %dma_start3A_607] : memref<6x200x16xf32, #tpu.memory_space<vmem>> -> memref<1x128x16xf32, #tpu.memory_space<vmem>>
        %dma_start3A_609 = tpu.memref_squeeze %dma_start3A_608 : memref<1x128x16xf32, #tpu.memory_space<vmem>> -> memref<128x16xf32, #tpu.memory_space<vmem>>
        %dma_start3A_610 = tpu.memref_slice %arg5[%add3A_604] : memref<25600xi32, #tpu.memory_space<vmem>> -> memref<128xi32, #tpu.memory_space<vmem>>
        %dma_start3A_611 = arith.constant 0 : i32
        %dma_start3A_612 = arith.constant 0 : i32
        %dma_start3A_613 = tpu.memref_slice %arg3[%dma_start3A_611, %dma_start3A_612] : memref<100000x16xf32, #tpu.memory_space<hbm>> -> memref<100000x16xf32, #tpu.memory_space<hbm>>
        tpu.enqueue_indirect_dma source(%dma_start3A_613 : memref<100000x16xf32, #tpu.memory_space<hbm>>) target(%dma_start3A_609 : memref<128x16xf32, #tpu.memory_space<vmem>>) offsets(%dma_start3A_610 : memref<128xi32, #tpu.memory_space<vmem>>) semaphore(%arg11 : memref<!tpu.dma_semaphore, #tpu.memory_space<semaphore_mem>>)
        %mul3A_614 = arith.constant 200 : i32
        %mul3A_615 = arith.muli %add3A_600, %mul3A_614 : i32
        %add3A_616 = arith.constant 128 : i32
        %add3A_617 = arith.addi %mul3A_615, %add3A_616 : i32
        %dma_start3A_618 = arith.constant 3 : i32
        %dma_start3A_619 = arith.constant 128 : i32
        %dma_start3A_620 = arith.constant 0 : i32
        %dma_start3A_621 = tpu.memref_slice %arg6[%dma_start3A_618, %dma_start3A_619, %dma_start3A_620] : memref<6x200x16xf32, #tpu.memory_space<vmem>> -> memref<1x72x16xf32, #tpu.memory_space<vmem>>
        %dma_start3A_622 = tpu.memref_squeeze %dma_start3A_621 : memref<1x72x16xf32, #tpu.memory_space<vmem>> -> memref<72x16xf32, #tpu.memory_space<vmem>>
        %dma_start3A_623 = tpu.memref_slice %arg5[%add3A_617] : memref<25600xi32, #tpu.memory_space<vmem>> -> memref<72xi32, #tpu.memory_space<vmem>>
        %dma_start3A_624 = arith.constant 0 : i32
        %dma_start3A_625 = arith.constant 0 : i32
        %dma_start3A_626 = tpu.memref_slice %arg3[%dma_start3A_624, %dma_start3A_625] : memref<100000x16xf32, #tpu.memory_space<hbm>> -> memref<100000x16xf32, #tpu.memory_space<hbm>>
        tpu.enqueue_indirect_dma source(%dma_start3A_626 : memref<100000x16xf32, #tpu.memory_space<hbm>>) target(%dma_start3A_622 : memref<72x16xf32, #tpu.memory_space<vmem>>) offsets(%dma_start3A_623 : memref<72xi32, #tpu.memory_space<vmem>>) semaphore(%arg11 : memref<!tpu.dma_semaphore, #tpu.memory_space<semaphore_mem>>)
      } else {
      }
      %dma_wait3A_474 = arith.constant 4 : i32
      %dma_wait3A_475 = arith.constant 0 : i32
      %dma_wait3A_476 = arith.constant 0 : i32
      %dma_wait3A_477 = tpu.memref_slice %arg6[%dma_wait3A_474, %dma_wait3A_475, %dma_wait3A_476] : memref<6x200x16xf32, #tpu.memory_space<vmem>> -> memref<1x128x16xf32, #tpu.memory_space<vmem>>
      %dma_wait3A_478 = tpu.memref_squeeze %dma_wait3A_477 : memref<1x128x16xf32, #tpu.memory_space<vmem>> -> memref<128x16xf32, #tpu.memory_space<vmem>>
      %dma_wait3A_479 = arith.constant 0 : i32
      %dma_wait3A_480 = arith.constant 0 : i32
      %dma_wait3A_481 = tpu.memref_slice %arg3[%dma_wait3A_479, %dma_wait3A_480] : memref<100000x16xf32, #tpu.memory_space<hbm>> -> memref<128x16xf32, #tpu.memory_space<hbm>>
      %dma_wait3A_482 = arith.constant 0 : i32
      %dma_wait3A_483 = arith.constant 0 : i32
      %dma_wait3A_484 = tpu.memref_slice %arg6[%dma_wait3A_474, %dma_wait3A_482, %dma_wait3A_483] : memref<6x200x16xf32, #tpu.memory_space<vmem>> -> memref<1x128x16xf32, #tpu.memory_space<vmem>>
      %dma_wait3A_485 = tpu.memref_squeeze %dma_wait3A_484 : memref<1x128x16xf32, #tpu.memory_space<vmem>> -> memref<128x16xf32, #tpu.memory_space<vmem>>
      %dma_wait3A_486 = arith.constant 0 : i32
      %dma_wait3A_487 = arith.constant 0 : i32
      %dma_wait3A_488 = tpu.memref_slice %arg3[%dma_wait3A_486, %dma_wait3A_487] : memref<100000x16xf32, #tpu.memory_space<hbm>> -> memref<128x16xf32, #tpu.memory_space<hbm>>
      tpu.wait_dma2 semaphore(%arg12 : memref<!tpu.dma_semaphore, #tpu.memory_space<semaphore_mem>>) src(%dma_wait3A_488 : memref<128x16xf32, #tpu.memory_space<hbm>>) dst(%dma_wait3A_485 : memref<128x16xf32, #tpu.memory_space<vmem>>)
      %dma_wait3A_489 = arith.constant 4 : i32
      %dma_wait3A_490 = arith.constant 128 : i32
      %dma_wait3A_491 = arith.constant 0 : i32
      %dma_wait3A_492 = tpu.memref_slice %arg6[%dma_wait3A_489, %dma_wait3A_490, %dma_wait3A_491] : memref<6x200x16xf32, #tpu.memory_space<vmem>> -> memref<1x72x16xf32, #tpu.memory_space<vmem>>
      %dma_wait3A_493 = tpu.memref_squeeze %dma_wait3A_492 : memref<1x72x16xf32, #tpu.memory_space<vmem>> -> memref<72x16xf32, #tpu.memory_space<vmem>>
      %dma_wait3A_494 = arith.constant 0 : i32
      %dma_wait3A_495 = arith.constant 0 : i32
      %dma_wait3A_496 = tpu.memref_slice %arg3[%dma_wait3A_494, %dma_wait3A_495] : memref<100000x16xf32, #tpu.memory_space<hbm>> -> memref<72x16xf32, #tpu.memory_space<hbm>>
      %dma_wait3A_497 = arith.constant 128 : i32
      %dma_wait3A_498 = arith.constant 0 : i32
      %dma_wait3A_499 = tpu.memref_slice %arg6[%dma_wait3A_489, %dma_wait3A_497, %dma_wait3A_498] : memref<6x200x16xf32, #tpu.memory_space<vmem>> -> memref<1x72x16xf32, #tpu.memory_space<vmem>>
      %dma_wait3A_500 = tpu.memref_squeeze %dma_wait3A_499 : memref<1x72x16xf32, #tpu.memory_space<vmem>> -> memref<72x16xf32, #tpu.memory_space<vmem>>
      %dma_wait3A_501 = arith.constant 0 : i32
      %dma_wait3A_502 = arith.constant 0 : i32
      %dma_wait3A_503 = tpu.memref_slice %arg3[%dma_wait3A_501, %dma_wait3A_502] : memref<100000x16xf32, #tpu.memory_space<hbm>> -> memref<72x16xf32, #tpu.memory_space<hbm>>
      tpu.wait_dma2 semaphore(%arg12 : memref<!tpu.dma_semaphore, #tpu.memory_space<semaphore_mem>>) src(%dma_wait3A_503 : memref<72x16xf32, #tpu.memory_space<hbm>>) dst(%dma_wait3A_500 : memref<72x16xf32, #tpu.memory_space<vmem>>)
      %add3A_504 = arith.constant 4 : i32
      %add3A_505 = arith.addi %mul3A_232, %add3A_504 : i32
      %broadcast_in_dim3A_506 = arith.constant 0.000000e+00 : f32
      %broadcast_in_dim3A_507 = vector.broadcast %broadcast_in_dim3A_506 : f32 to vector<16xf32>
      %scan3A_508 = arith.constant 0 : i32
      %scan3A_509 = arith.constant 25 : i32
      %scan3A_510 = arith.addi %scan3A_508, %scan3A_509 : i32
      %scan3A_511 = arith.constant 1 : i32
      %scan3A_512:8 = scf.for %scan3A_597 = %scan3A_508 to %scan3A_510 step %scan3A_511 iter_args(%scan3A_598 = %broadcast_in_dim3A_507, %scan3A_599 = %broadcast_in_dim3A_507, %scan3A_600 = %broadcast_in_dim3A_507, %scan3A_601 = %broadcast_in_dim3A_507, %scan3A_602 = %broadcast_in_dim3A_507, %scan3A_603 = %broadcast_in_dim3A_507, %scan3A_604 = %broadcast_in_dim3A_507, %scan3A_605 = %broadcast_in_dim3A_507) -> (vector<16xf32>, vector<16xf32>, vector<16xf32>, vector<16xf32>, vector<16xf32>, vector<16xf32>, vector<16xf32>, vector<16xf32>)  : i32 {
        %mul3A_606 = arith.constant 8 : i32
        %mul3A_607 = arith.muli %scan3A_597, %mul3A_606 : i32
        %add3A_608 = arith.constant 0 : i32
        %add3A_609 = arith.addi %mul3A_607, %add3A_608 : i32
        %get3A = arith.constant 4 : i32
        %get3A_610 = arith.index_cast %get3A : i32 to index
        %get3A_611 = arith.index_cast %add3A_609 : i32 to index
        %get3A_612 = arith.constant 0 : index
        %get3A_613 = tpu.vector_load %arg6[%get3A_610, %get3A_611, %get3A_612] {strides = array<i32>} : memref<6x200x16xf32, #tpu.memory_space<vmem>>, vector<1x1x16xf32>,
        %get3A_614 = vector.shape_cast %get3A_613 : vector<1x1x16xf32> to vector<16xf32>
        %add3A_615 = arith.addf %scan3A_598, %get3A_614 : vector<16xf32>
        %add3A_616 = arith.constant 1 : i32
        %add3A_617 = arith.addi %mul3A_607, %add3A_616 : i32
        %get3A_618 = arith.constant 4 : i32
        %get3A_619 = arith.index_cast %get3A_618 : i32 to index
        %get3A_620 = arith.index_cast %add3A_617 : i32 to index
        %get3A_621 = arith.constant 0 : index
        %get3A_622 = tpu.vector_load %arg6[%get3A_619, %get3A_620, %get3A_621] {strides = array<i32>} : memref<6x200x16xf32, #tpu.memory_space<vmem>>, vector<1x1x16xf32>,
        %get3A_623 = vector.shape_cast %get3A_622 : vector<1x1x16xf32> to vector<16xf32>
        %add3A_624 = arith.addf %scan3A_599, %get3A_623 : vector<16xf32>
        %add3A_625 = arith.constant 2 : i32
        %add3A_626 = arith.addi %mul3A_607, %add3A_625 : i32
        %get3A_627 = arith.constant 4 : i32
        %get3A_628 = arith.index_cast %get3A_627 : i32 to index
        %get3A_629 = arith.index_cast %add3A_626 : i32 to index
        %get3A_630 = arith.constant 0 : index
        %get3A_631 = tpu.vector_load %arg6[%get3A_628, %get3A_629, %get3A_630] {strides = array<i32>} : memref<6x200x16xf32, #tpu.memory_space<vmem>>, vector<1x1x16xf32>,
        %get3A_632 = vector.shape_cast %get3A_631 : vector<1x1x16xf32> to vector<16xf32>
        %add3A_633 = arith.addf %scan3A_600, %get3A_632 : vector<16xf32>
        %add3A_634 = arith.constant 3 : i32
        %add3A_635 = arith.addi %mul3A_607, %add3A_634 : i32
        %get3A_636 = arith.constant 4 : i32
        %get3A_637 = arith.index_cast %get3A_636 : i32 to index
        %get3A_638 = arith.index_cast %add3A_635 : i32 to index
        %get3A_639 = arith.constant 0 : index
        %get3A_640 = tpu.vector_load %arg6[%get3A_637, %get3A_638, %get3A_639] {strides = array<i32>} : memref<6x200x16xf32, #tpu.memory_space<vmem>>, vector<1x1x16xf32>,
        %get3A_641 = vector.shape_cast %get3A_640 : vector<1x1x16xf32> to vector<16xf32>
        %add3A_642 = arith.addf %scan3A_601, %get3A_641 : vector<16xf32>
        %add3A_643 = arith.constant 4 : i32
        %add3A_644 = arith.addi %mul3A_607, %add3A_643 : i32
        %get3A_645 = arith.constant 4 : i32
        %get3A_646 = arith.index_cast %get3A_645 : i32 to index
        %get3A_647 = arith.index_cast %add3A_644 : i32 to index
        %get3A_648 = arith.constant 0 : index
        %get3A_649 = tpu.vector_load %arg6[%get3A_646, %get3A_647, %get3A_648] {strides = array<i32>} : memref<6x200x16xf32, #tpu.memory_space<vmem>>, vector<1x1x16xf32>,
        %get3A_650 = vector.shape_cast %get3A_649 : vector<1x1x16xf32> to vector<16xf32>
        %add3A_651 = arith.addf %scan3A_602, %get3A_650 : vector<16xf32>
        %add3A_652 = arith.constant 5 : i32
        %add3A_653 = arith.addi %mul3A_607, %add3A_652 : i32
        %get3A_654 = arith.constant 4 : i32
        %get3A_655 = arith.index_cast %get3A_654 : i32 to index
        %get3A_656 = arith.index_cast %add3A_653 : i32 to index
        %get3A_657 = arith.constant 0 : index
        %get3A_658 = tpu.vector_load %arg6[%get3A_655, %get3A_656, %get3A_657] {strides = array<i32>} : memref<6x200x16xf32, #tpu.memory_space<vmem>>, vector<1x1x16xf32>,
        %get3A_659 = vector.shape_cast %get3A_658 : vector<1x1x16xf32> to vector<16xf32>
        %add3A_660 = arith.addf %scan3A_603, %get3A_659 : vector<16xf32>
        %add3A_661 = arith.constant 6 : i32
        %add3A_662 = arith.addi %mul3A_607, %add3A_661 : i32
        %get3A_663 = arith.constant 4 : i32
        %get3A_664 = arith.index_cast %get3A_663 : i32 to index
        %get3A_665 = arith.index_cast %add3A_662 : i32 to index
        %get3A_666 = arith.constant 0 : index
        %get3A_667 = tpu.vector_load %arg6[%get3A_664, %get3A_665, %get3A_666] {strides = array<i32>} : memref<6x200x16xf32, #tpu.memory_space<vmem>>, vector<1x1x16xf32>,
        %get3A_668 = vector.shape_cast %get3A_667 : vector<1x1x16xf32> to vector<16xf32>
        %add3A_669 = arith.addf %scan3A_604, %get3A_668 : vector<16xf32>
        %add3A_670 = arith.constant 7 : i32
        %add3A_671 = arith.addi %mul3A_607, %add3A_670 : i32
        %get3A_672 = arith.constant 4 : i32
        %get3A_673 = arith.index_cast %get3A_672 : i32 to index
        %get3A_674 = arith.index_cast %add3A_671 : i32 to index
        %get3A_675 = arith.constant 0 : index
        %get3A_676 = tpu.vector_load %arg6[%get3A_673, %get3A_674, %get3A_675] {strides = array<i32>} : memref<6x200x16xf32, #tpu.memory_space<vmem>>, vector<1x1x16xf32>,
        %get3A_677 = vector.shape_cast %get3A_676 : vector<1x1x16xf32> to vector<16xf32>
        %add3A_678 = arith.addf %scan3A_605, %get3A_677 : vector<16xf32>
        scf.yield %add3A_615, %add3A_624, %add3A_633, %add3A_642, %add3A_651, %add3A_660, %add3A_669, %add3A_678 : vector<16xf32>, vector<16xf32>, vector<16xf32>, vector<16xf32>, vector<16xf32>, vector<16xf32>, vector<16xf32>, vector<16xf32>
      }
      %scan3A_513 = arith.constant 25 : i32
      %add3A_514 = arith.addf %scan3A_512#0, %scan3A_512#1 : vector<16xf32>
      %add3A_515 = arith.addf %add3A_514, %scan3A_512#2 : vector<16xf32>
      %add3A_516 = arith.addf %add3A_515, %scan3A_512#3 : vector<16xf32>
      %add3A_517 = arith.addf %add3A_516, %scan3A_512#4 : vector<16xf32>
      %add3A_518 = arith.addf %add3A_517, %scan3A_512#5 : vector<16xf32>
      %add3A_519 = arith.addf %add3A_518, %scan3A_512#6 : vector<16xf32>
      %add3A_520 = arith.addf %add3A_519, %scan3A_512#7 : vector<16xf32>
      %swap3A_521 = arith.index_cast %add3A_505 : i32 to index
      %swap3A_522 = arith.constant 0 : index
      %swap3A_523 = tpu.vector_load %arg7[%swap3A_521, %swap3A_522] {strides = array<i32>} : memref<128x16xf32, #tpu.memory_space<vmem>>, vector<1x16xf32>,
      %swap3A_524 = vector.shape_cast %swap3A_523 : vector<1x16xf32> to vector<16xf32>
      %swap3A_525 = vector.shape_cast %add3A_520 : vector<16xf32> to vector<1x16xf32>
      tpu.vector_store %arg7[%swap3A_521, %swap3A_522], %swap3A_525 {strides = array<i32>} : memref<128x16xf32, #tpu.memory_space<vmem>>, vector<1x16xf32>,
      %add3A_526 = arith.constant 4 : i32
      %add3A_527 = arith.addi %mul3A_232, %add3A_526 : i32
      %add3A_528 = arith.constant 6 : i32
      %add3A_529 = arith.addi %add3A_527, %add3A_528 : i32
      %lt3A_530 = arith.constant 128 : i32
      %lt3A_531 = arith.cmpi slt, %add3A_529, %lt3A_530 : i32
      %convert_element_type3A_532 = arith.extui %lt3A_531 : i1 to i32
      %cond3A_533 = arith.constant 0 : i32
      %cond3A_534 = arith.cmpi ne, %convert_element_type3A_532, %cond3A_533 : i32
      scf.if %cond3A_534 {
        %add3A_597 = arith.constant 4 : i32
        %add3A_598 = arith.addi %mul3A_232, %add3A_597 : i32
        %add3A_599 = arith.constant 6 : i32
        %add3A_600 = arith.addi %add3A_598, %add3A_599 : i32
        %mul3A_601 = arith.constant 200 : i32
        %mul3A_602 = arith.muli %add3A_600, %mul3A_601 : i32
        %add3A_603 = arith.constant 0 : i32
        %add3A_604 = arith.addi %mul3A_602, %add3A_603 : i32
        %dma_start3A_605 = arith.constant 4 : i32
        %dma_start3A_606 = arith.constant 0 : i32
        %dma_start3A_607 = arith.constant 0 : i32
        %dma_start3A_608 = tpu.memref_slice %arg6[%dma_start3A_605, %dma_start3A_606, %dma_start3A_607] : memref<6x200x16xf32, #tpu.memory_space<vmem>> -> memref<1x128x16xf32, #tpu.memory_space<vmem>>
        %dma_start3A_609 = tpu.memref_squeeze %dma_start3A_608 : memref<1x128x16xf32, #tpu.memory_space<vmem>> -> memref<128x16xf32, #tpu.memory_space<vmem>>
        %dma_start3A_610 = tpu.memref_slice %arg5[%add3A_604] : memref<25600xi32, #tpu.memory_space<vmem>> -> memref<128xi32, #tpu.memory_space<vmem>>
        %dma_start3A_611 = arith.constant 0 : i32
        %dma_start3A_612 = arith.constant 0 : i32
        %dma_start3A_613 = tpu.memref_slice %arg3[%dma_start3A_611, %dma_start3A_612] : memref<100000x16xf32, #tpu.memory_space<hbm>> -> memref<100000x16xf32, #tpu.memory_space<hbm>>
        tpu.enqueue_indirect_dma source(%dma_start3A_613 : memref<100000x16xf32, #tpu.memory_space<hbm>>) target(%dma_start3A_609 : memref<128x16xf32, #tpu.memory_space<vmem>>) offsets(%dma_start3A_610 : memref<128xi32, #tpu.memory_space<vmem>>) semaphore(%arg12 : memref<!tpu.dma_semaphore, #tpu.memory_space<semaphore_mem>>)
        %mul3A_614 = arith.constant 200 : i32
        %mul3A_615 = arith.muli %add3A_600, %mul3A_614 : i32
        %add3A_616 = arith.constant 128 : i32
        %add3A_617 = arith.addi %mul3A_615, %add3A_616 : i32
        %dma_start3A_618 = arith.constant 4 : i32
        %dma_start3A_619 = arith.constant 128 : i32
        %dma_start3A_620 = arith.constant 0 : i32
        %dma_start3A_621 = tpu.memref_slice %arg6[%dma_start3A_618, %dma_start3A_619, %dma_start3A_620] : memref<6x200x16xf32, #tpu.memory_space<vmem>> -> memref<1x72x16xf32, #tpu.memory_space<vmem>>
        %dma_start3A_622 = tpu.memref_squeeze %dma_start3A_621 : memref<1x72x16xf32, #tpu.memory_space<vmem>> -> memref<72x16xf32, #tpu.memory_space<vmem>>
        %dma_start3A_623 = tpu.memref_slice %arg5[%add3A_617] : memref<25600xi32, #tpu.memory_space<vmem>> -> memref<72xi32, #tpu.memory_space<vmem>>
        %dma_start3A_624 = arith.constant 0 : i32
        %dma_start3A_625 = arith.constant 0 : i32
        %dma_start3A_626 = tpu.memref_slice %arg3[%dma_start3A_624, %dma_start3A_625] : memref<100000x16xf32, #tpu.memory_space<hbm>> -> memref<100000x16xf32, #tpu.memory_space<hbm>>
        tpu.enqueue_indirect_dma source(%dma_start3A_626 : memref<100000x16xf32, #tpu.memory_space<hbm>>) target(%dma_start3A_622 : memref<72x16xf32, #tpu.memory_space<vmem>>) offsets(%dma_start3A_623 : memref<72xi32, #tpu.memory_space<vmem>>) semaphore(%arg12 : memref<!tpu.dma_semaphore, #tpu.memory_space<semaphore_mem>>)
      } else {
      }
      %dma_wait3A_535 = arith.constant 5 : i32
      %dma_wait3A_536 = arith.constant 0 : i32
      %dma_wait3A_537 = arith.constant 0 : i32
      %dma_wait3A_538 = tpu.memref_slice %arg6[%dma_wait3A_535, %dma_wait3A_536, %dma_wait3A_537] : memref<6x200x16xf32, #tpu.memory_space<vmem>> -> memref<1x128x16xf32, #tpu.memory_space<vmem>>
      %dma_wait3A_539 = tpu.memref_squeeze %dma_wait3A_538 : memref<1x128x16xf32, #tpu.memory_space<vmem>> -> memref<128x16xf32, #tpu.memory_space<vmem>>
      %dma_wait3A_540 = arith.constant 0 : i32
      %dma_wait3A_541 = arith.constant 0 : i32
      %dma_wait3A_542 = tpu.memref_slice %arg3[%dma_wait3A_540, %dma_wait3A_541] : memref<100000x16xf32, #tpu.memory_space<hbm>> -> memref<128x16xf32, #tpu.memory_space<hbm>>
      %dma_wait3A_543 = arith.constant 0 : i32
      %dma_wait3A_544 = arith.constant 0 : i32
      %dma_wait3A_545 = tpu.memref_slice %arg6[%dma_wait3A_535, %dma_wait3A_543, %dma_wait3A_544] : memref<6x200x16xf32, #tpu.memory_space<vmem>> -> memref<1x128x16xf32, #tpu.memory_space<vmem>>
      %dma_wait3A_546 = tpu.memref_squeeze %dma_wait3A_545 : memref<1x128x16xf32, #tpu.memory_space<vmem>> -> memref<128x16xf32, #tpu.memory_space<vmem>>
      %dma_wait3A_547 = arith.constant 0 : i32
      %dma_wait3A_548 = arith.constant 0 : i32
      %dma_wait3A_549 = tpu.memref_slice %arg3[%dma_wait3A_547, %dma_wait3A_548] : memref<100000x16xf32, #tpu.memory_space<hbm>> -> memref<128x16xf32, #tpu.memory_space<hbm>>
      tpu.wait_dma2 semaphore(%arg13 : memref<!tpu.dma_semaphore, #tpu.memory_space<semaphore_mem>>) src(%dma_wait3A_549 : memref<128x16xf32, #tpu.memory_space<hbm>>) dst(%dma_wait3A_546 : memref<128x16xf32, #tpu.memory_space<vmem>>)
      %dma_wait3A_550 = arith.constant 5 : i32
      %dma_wait3A_551 = arith.constant 128 : i32
      %dma_wait3A_552 = arith.constant 0 : i32
      %dma_wait3A_553 = tpu.memref_slice %arg6[%dma_wait3A_550, %dma_wait3A_551, %dma_wait3A_552] : memref<6x200x16xf32, #tpu.memory_space<vmem>> -> memref<1x72x16xf32, #tpu.memory_space<vmem>>
      %dma_wait3A_554 = tpu.memref_squeeze %dma_wait3A_553 : memref<1x72x16xf32, #tpu.memory_space<vmem>> -> memref<72x16xf32, #tpu.memory_space<vmem>>
      %dma_wait3A_555 = arith.constant 0 : i32
      %dma_wait3A_556 = arith.constant 0 : i32
      %dma_wait3A_557 = tpu.memref_slice %arg3[%dma_wait3A_555, %dma_wait3A_556] : memref<100000x16xf32, #tpu.memory_space<hbm>> -> memref<72x16xf32, #tpu.memory_space<hbm>>
      %dma_wait3A_558 = arith.constant 128 : i32
      %dma_wait3A_559 = arith.constant 0 : i32
      %dma_wait3A_560 = tpu.memref_slice %arg6[%dma_wait3A_550, %dma_wait3A_558, %dma_wait3A_559] : memref<6x200x16xf32, #tpu.memory_space<vmem>> -> memref<1x72x16xf32, #tpu.memory_space<vmem>>
      %dma_wait3A_561 = tpu.memref_squeeze %dma_wait3A_560 : memref<1x72x16xf32, #tpu.memory_space<vmem>> -> memref<72x16xf32, #tpu.memory_space<vmem>>
      %dma_wait3A_562 = arith.constant 0 : i32
      %dma_wait3A_563 = arith.constant 0 : i32
      %dma_wait3A_564 = tpu.memref_slice %arg3[%dma_wait3A_562, %dma_wait3A_563] : memref<100000x16xf32, #tpu.memory_space<hbm>> -> memref<72x16xf32, #tpu.memory_space<hbm>>
      tpu.wait_dma2 semaphore(%arg13 : memref<!tpu.dma_semaphore, #tpu.memory_space<semaphore_mem>>) src(%dma_wait3A_564 : memref<72x16xf32, #tpu.memory_space<hbm>>) dst(%dma_wait3A_561 : memref<72x16xf32, #tpu.memory_space<vmem>>)
      %add3A_565 = arith.constant 5 : i32
      %add3A_566 = arith.addi %mul3A_232, %add3A_565 : i32
      %broadcast_in_dim3A_567 = arith.constant 0.000000e+00 : f32
      %broadcast_in_dim3A_568 = vector.broadcast %broadcast_in_dim3A_567 : f32 to vector<16xf32>
      %scan3A_569 = arith.constant 0 : i32
      %scan3A_570 = arith.constant 25 : i32
      %scan3A_571 = arith.addi %scan3A_569, %scan3A_570 : i32
      %scan3A_572 = arith.constant 1 : i32
      %scan3A_573:8 = scf.for %scan3A_597 = %scan3A_569 to %scan3A_571 step %scan3A_572 iter_args(%scan3A_598 = %broadcast_in_dim3A_568, %scan3A_599 = %broadcast_in_dim3A_568, %scan3A_600 = %broadcast_in_dim3A_568, %scan3A_601 = %broadcast_in_dim3A_568, %scan3A_602 = %broadcast_in_dim3A_568, %scan3A_603 = %broadcast_in_dim3A_568, %scan3A_604 = %broadcast_in_dim3A_568, %scan3A_605 = %broadcast_in_dim3A_568) -> (vector<16xf32>, vector<16xf32>, vector<16xf32>, vector<16xf32>, vector<16xf32>, vector<16xf32>, vector<16xf32>, vector<16xf32>)  : i32 {
        %mul3A_606 = arith.constant 8 : i32
        %mul3A_607 = arith.muli %scan3A_597, %mul3A_606 : i32
        %add3A_608 = arith.constant 0 : i32
        %add3A_609 = arith.addi %mul3A_607, %add3A_608 : i32
        %get3A = arith.constant 5 : i32
        %get3A_610 = arith.index_cast %get3A : i32 to index
        %get3A_611 = arith.index_cast %add3A_609 : i32 to index
        %get3A_612 = arith.constant 0 : index
        %get3A_613 = tpu.vector_load %arg6[%get3A_610, %get3A_611, %get3A_612] {strides = array<i32>} : memref<6x200x16xf32, #tpu.memory_space<vmem>>, vector<1x1x16xf32>,
        %get3A_614 = vector.shape_cast %get3A_613 : vector<1x1x16xf32> to vector<16xf32>
        %add3A_615 = arith.addf %scan3A_598, %get3A_614 : vector<16xf32>
        %add3A_616 = arith.constant 1 : i32
        %add3A_617 = arith.addi %mul3A_607, %add3A_616 : i32
        %get3A_618 = arith.constant 5 : i32
        %get3A_619 = arith.index_cast %get3A_618 : i32 to index
        %get3A_620 = arith.index_cast %add3A_617 : i32 to index
        %get3A_621 = arith.constant 0 : index
        %get3A_622 = tpu.vector_load %arg6[%get3A_619, %get3A_620, %get3A_621] {strides = array<i32>} : memref<6x200x16xf32, #tpu.memory_space<vmem>>, vector<1x1x16xf32>,
        %get3A_623 = vector.shape_cast %get3A_622 : vector<1x1x16xf32> to vector<16xf32>
        %add3A_624 = arith.addf %scan3A_599, %get3A_623 : vector<16xf32>
        %add3A_625 = arith.constant 2 : i32
        %add3A_626 = arith.addi %mul3A_607, %add3A_625 : i32
        %get3A_627 = arith.constant 5 : i32
        %get3A_628 = arith.index_cast %get3A_627 : i32 to index
        %get3A_629 = arith.index_cast %add3A_626 : i32 to index
        %get3A_630 = arith.constant 0 : index
        %get3A_631 = tpu.vector_load %arg6[%get3A_628, %get3A_629, %get3A_630] {strides = array<i32>} : memref<6x200x16xf32, #tpu.memory_space<vmem>>, vector<1x1x16xf32>,
        %get3A_632 = vector.shape_cast %get3A_631 : vector<1x1x16xf32> to vector<16xf32>
        %add3A_633 = arith.addf %scan3A_600, %get3A_632 : vector<16xf32>
        %add3A_634 = arith.constant 3 : i32
        %add3A_635 = arith.addi %mul3A_607, %add3A_634 : i32
        %get3A_636 = arith.constant 5 : i32
        %get3A_637 = arith.index_cast %get3A_636 : i32 to index
        %get3A_638 = arith.index_cast %add3A_635 : i32 to index
        %get3A_639 = arith.constant 0 : index
        %get3A_640 = tpu.vector_load %arg6[%get3A_637, %get3A_638, %get3A_639] {strides = array<i32>} : memref<6x200x16xf32, #tpu.memory_space<vmem>>, vector<1x1x16xf32>,
        %get3A_641 = vector.shape_cast %get3A_640 : vector<1x1x16xf32> to vector<16xf32>
        %add3A_642 = arith.addf %scan3A_601, %get3A_641 : vector<16xf32>
        %add3A_643 = arith.constant 4 : i32
        %add3A_644 = arith.addi %mul3A_607, %add3A_643 : i32
        %get3A_645 = arith.constant 5 : i32
        %get3A_646 = arith.index_cast %get3A_645 : i32 to index
        %get3A_647 = arith.index_cast %add3A_644 : i32 to index
        %get3A_648 = arith.constant 0 : index
        %get3A_649 = tpu.vector_load %arg6[%get3A_646, %get3A_647, %get3A_648] {strides = array<i32>} : memref<6x200x16xf32, #tpu.memory_space<vmem>>, vector<1x1x16xf32>,
        %get3A_650 = vector.shape_cast %get3A_649 : vector<1x1x16xf32> to vector<16xf32>
        %add3A_651 = arith.addf %scan3A_602, %get3A_650 : vector<16xf32>
        %add3A_652 = arith.constant 5 : i32
        %add3A_653 = arith.addi %mul3A_607, %add3A_652 : i32
        %get3A_654 = arith.constant 5 : i32
        %get3A_655 = arith.index_cast %get3A_654 : i32 to index
        %get3A_656 = arith.index_cast %add3A_653 : i32 to index
        %get3A_657 = arith.constant 0 : index
        %get3A_658 = tpu.vector_load %arg6[%get3A_655, %get3A_656, %get3A_657] {strides = array<i32>} : memref<6x200x16xf32, #tpu.memory_space<vmem>>, vector<1x1x16xf32>,
        %get3A_659 = vector.shape_cast %get3A_658 : vector<1x1x16xf32> to vector<16xf32>
        %add3A_660 = arith.addf %scan3A_603, %get3A_659 : vector<16xf32>
        %add3A_661 = arith.constant 6 : i32
        %add3A_662 = arith.addi %mul3A_607, %add3A_661 : i32
        %get3A_663 = arith.constant 5 : i32
        %get3A_664 = arith.index_cast %get3A_663 : i32 to index
        %get3A_665 = arith.index_cast %add3A_662 : i32 to index
        %get3A_666 = arith.constant 0 : index
        %get3A_667 = tpu.vector_load %arg6[%get3A_664, %get3A_665, %get3A_666] {strides = array<i32>} : memref<6x200x16xf32, #tpu.memory_space<vmem>>, vector<1x1x16xf32>,
        %get3A_668 = vector.shape_cast %get3A_667 : vector<1x1x16xf32> to vector<16xf32>
        %add3A_669 = arith.addf %scan3A_604, %get3A_668 : vector<16xf32>
        %add3A_670 = arith.constant 7 : i32
        %add3A_671 = arith.addi %mul3A_607, %add3A_670 : i32
        %get3A_672 = arith.constant 5 : i32
        %get3A_673 = arith.index_cast %get3A_672 : i32 to index
        %get3A_674 = arith.index_cast %add3A_671 : i32 to index
        %get3A_675 = arith.constant 0 : index
        %get3A_676 = tpu.vector_load %arg6[%get3A_673, %get3A_674, %get3A_675] {strides = array<i32>} : memref<6x200x16xf32, #tpu.memory_space<vmem>>, vector<1x1x16xf32>,
        %get3A_677 = vector.shape_cast %get3A_676 : vector<1x1x16xf32> to vector<16xf32>
        %add3A_678 = arith.addf %scan3A_605, %get3A_677 : vector<16xf32>
        scf.yield %add3A_615, %add3A_624, %add3A_633, %add3A_642, %add3A_651, %add3A_660, %add3A_669, %add3A_678 : vector<16xf32>, vector<16xf32>, vector<16xf32>, vector<16xf32>, vector<16xf32>, vector<16xf32>, vector<16xf32>, vector<16xf32>
      }
      %scan3A_574 = arith.constant 25 : i32
      %add3A_575 = arith.addf %scan3A_573#0, %scan3A_573#1 : vector<16xf32>
      %add3A_576 = arith.addf %add3A_575, %scan3A_573#2 : vector<16xf32>
      %add3A_577 = arith.addf %add3A_576, %scan3A_573#3 : vector<16xf32>
      %add3A_578 = arith.addf %add3A_577, %scan3A_573#4 : vector<16xf32>
      %add3A_579 = arith.addf %add3A_578, %scan3A_573#5 : vector<16xf32>
      %add3A_580 = arith.addf %add3A_579, %scan3A_573#6 : vector<16xf32>
      %add3A_581 = arith.addf %add3A_580, %scan3A_573#7 : vector<16xf32>
      %swap3A_582 = arith.index_cast %add3A_566 : i32 to index
      %swap3A_583 = arith.constant 0 : index
      %swap3A_584 = tpu.vector_load %arg7[%swap3A_582, %swap3A_583] {strides = array<i32>} : memref<128x16xf32, #tpu.memory_space<vmem>>, vector<1x16xf32>,
      %swap3A_585 = vector.shape_cast %swap3A_584 : vector<1x16xf32> to vector<16xf32>
      %swap3A_586 = vector.shape_cast %add3A_581 : vector<16xf32> to vector<1x16xf32>
      tpu.vector_store %arg7[%swap3A_582, %swap3A_583], %swap3A_586 {strides = array<i32>} : memref<128x16xf32, #tpu.memory_space<vmem>>, vector<1x16xf32>,
      %add3A_587 = arith.constant 5 : i32
      %add3A_588 = arith.addi %mul3A_232, %add3A_587 : i32
      %add3A_589 = arith.constant 6 : i32
      %add3A_590 = arith.addi %add3A_588, %add3A_589 : i32
      %lt3A_591 = arith.constant 128 : i32
      %lt3A_592 = arith.cmpi slt, %add3A_590, %lt3A_591 : i32
      %convert_element_type3A_593 = arith.extui %lt3A_592 : i1 to i32
      %cond3A_594 = arith.constant 0 : i32
      %cond3A_595 = arith.cmpi ne, %convert_element_type3A_593, %cond3A_594 : i32
      scf.if %cond3A_595 {
        %add3A_597 = arith.constant 5 : i32
        %add3A_598 = arith.addi %mul3A_232, %add3A_597 : i32
        %add3A_599 = arith.constant 6 : i32
        %add3A_600 = arith.addi %add3A_598, %add3A_599 : i32
        %mul3A_601 = arith.constant 200 : i32
        %mul3A_602 = arith.muli %add3A_600, %mul3A_601 : i32
        %add3A_603 = arith.constant 0 : i32
        %add3A_604 = arith.addi %mul3A_602, %add3A_603 : i32
        %dma_start3A_605 = arith.constant 5 : i32
        %dma_start3A_606 = arith.constant 0 : i32
        %dma_start3A_607 = arith.constant 0 : i32
        %dma_start3A_608 = tpu.memref_slice %arg6[%dma_start3A_605, %dma_start3A_606, %dma_start3A_607] : memref<6x200x16xf32, #tpu.memory_space<vmem>> -> memref<1x128x16xf32, #tpu.memory_space<vmem>>
        %dma_start3A_609 = tpu.memref_squeeze %dma_start3A_608 : memref<1x128x16xf32, #tpu.memory_space<vmem>> -> memref<128x16xf32, #tpu.memory_space<vmem>>
        %dma_start3A_610 = tpu.memref_slice %arg5[%add3A_604] : memref<25600xi32, #tpu.memory_space<vmem>> -> memref<128xi32, #tpu.memory_space<vmem>>
        %dma_start3A_611 = arith.constant 0 : i32
        %dma_start3A_612 = arith.constant 0 : i32
        %dma_start3A_613 = tpu.memref_slice %arg3[%dma_start3A_611, %dma_start3A_612] : memref<100000x16xf32, #tpu.memory_space<hbm>> -> memref<100000x16xf32, #tpu.memory_space<hbm>>
        tpu.enqueue_indirect_dma source(%dma_start3A_613 : memref<100000x16xf32, #tpu.memory_space<hbm>>) target(%dma_start3A_609 : memref<128x16xf32, #tpu.memory_space<vmem>>) offsets(%dma_start3A_610 : memref<128xi32, #tpu.memory_space<vmem>>) semaphore(%arg13 : memref<!tpu.dma_semaphore, #tpu.memory_space<semaphore_mem>>)
        %mul3A_614 = arith.constant 200 : i32
        %mul3A_615 = arith.muli %add3A_600, %mul3A_614 : i32
        %add3A_616 = arith.constant 128 : i32
        %add3A_617 = arith.addi %mul3A_615, %add3A_616 : i32
        %dma_start3A_618 = arith.constant 5 : i32
        %dma_start3A_619 = arith.constant 128 : i32
        %dma_start3A_620 = arith.constant 0 : i32
        %dma_start3A_621 = tpu.memref_slice %arg6[%dma_start3A_618, %dma_start3A_619, %dma_start3A_620] : memref<6x200x16xf32, #tpu.memory_space<vmem>> -> memref<1x72x16xf32, #tpu.memory_space<vmem>>
        %dma_start3A_622 = tpu.memref_squeeze %dma_start3A_621 : memref<1x72x16xf32, #tpu.memory_space<vmem>> -> memref<72x16xf32, #tpu.memory_space<vmem>>
        %dma_start3A_623 = tpu.memref_slice %arg5[%add3A_617] : memref<25600xi32, #tpu.memory_space<vmem>> -> memref<72xi32, #tpu.memory_space<vmem>>
        %dma_start3A_624 = arith.constant 0 : i32
        %dma_start3A_625 = arith.constant 0 : i32
        %dma_start3A_626 = tpu.memref_slice %arg3[%dma_start3A_624, %dma_start3A_625] : memref<100000x16xf32, #tpu.memory_space<hbm>> -> memref<100000x16xf32, #tpu.memory_space<hbm>>
        tpu.enqueue_indirect_dma source(%dma_start3A_626 : memref<100000x16xf32, #tpu.memory_space<hbm>>) target(%dma_start3A_622 : memref<72x16xf32, #tpu.memory_space<vmem>>) offsets(%dma_start3A_623 : memref<72xi32, #tpu.memory_space<vmem>>) semaphore(%arg13 : memref<!tpu.dma_semaphore, #tpu.memory_space<semaphore_mem>>)
      } else {
      }
      %scan3A_596 = arith.constant 0 : i32
      scf.yield %scan3A_596 : i32
    }
    %scan3A_127 = arith.constant 21 : i32
    %dma_wait3A = arith.constant 0 : i32
    %dma_wait3A_128 = arith.constant 0 : i32
    %dma_wait3A_129 = arith.constant 0 : i32
    %dma_wait3A_130 = tpu.memref_slice %arg6[%dma_wait3A, %dma_wait3A_128, %dma_wait3A_129] : memref<6x200x16xf32, #tpu.memory_space<vmem>> -> memref<1x128x16xf32, #tpu.memory_space<vmem>>
    %dma_wait3A_131 = tpu.memref_squeeze %dma_wait3A_130 : memref<1x128x16xf32, #tpu.memory_space<vmem>> -> memref<128x16xf32, #tpu.memory_space<vmem>>
    %dma_wait3A_132 = arith.constant 0 : i32
    %dma_wait3A_133 = arith.constant 0 : i32
    %dma_wait3A_134 = tpu.memref_slice %arg3[%dma_wait3A_132, %dma_wait3A_133] : memref<100000x16xf32, #tpu.memory_space<hbm>> -> memref<128x16xf32, #tpu.memory_space<hbm>>
    %dma_wait3A_135 = arith.constant 0 : i32
    %dma_wait3A_136 = arith.constant 0 : i32
    %dma_wait3A_137 = tpu.memref_slice %arg6[%dma_wait3A, %dma_wait3A_135, %dma_wait3A_136] : memref<6x200x16xf32, #tpu.memory_space<vmem>> -> memref<1x128x16xf32, #tpu.memory_space<vmem>>
    %dma_wait3A_138 = tpu.memref_squeeze %dma_wait3A_137 : memref<1x128x16xf32, #tpu.memory_space<vmem>> -> memref<128x16xf32, #tpu.memory_space<vmem>>
    %dma_wait3A_139 = arith.constant 0 : i32
    %dma_wait3A_140 = arith.constant 0 : i32
    %dma_wait3A_141 = tpu.memref_slice %arg3[%dma_wait3A_139, %dma_wait3A_140] : memref<100000x16xf32, #tpu.memory_space<hbm>> -> memref<128x16xf32, #tpu.memory_space<hbm>>
    tpu.wait_dma2 semaphore(%arg8 : memref<!tpu.dma_semaphore, #tpu.memory_space<semaphore_mem>>) src(%dma_wait3A_141 : memref<128x16xf32, #tpu.memory_space<hbm>>) dst(%dma_wait3A_138 : memref<128x16xf32, #tpu.memory_space<vmem>>)
    %dma_wait3A_142 = arith.constant 0 : i32
    %dma_wait3A_143 = arith.constant 128 : i32
    %dma_wait3A_144 = arith.constant 0 : i32
    %dma_wait3A_145 = tpu.memref_slice %arg6[%dma_wait3A_142, %dma_wait3A_143, %dma_wait3A_144] : memref<6x200x16xf32, #tpu.memory_space<vmem>> -> memref<1x72x16xf32, #tpu.memory_space<vmem>>
    %dma_wait3A_146 = tpu.memref_squeeze %dma_wait3A_145 : memref<1x72x16xf32, #tpu.memory_space<vmem>> -> memref<72x16xf32, #tpu.memory_space<vmem>>
    %dma_wait3A_147 = arith.constant 0 : i32
    %dma_wait3A_148 = arith.constant 0 : i32
    %dma_wait3A_149 = tpu.memref_slice %arg3[%dma_wait3A_147, %dma_wait3A_148] : memref<100000x16xf32, #tpu.memory_space<hbm>> -> memref<72x16xf32, #tpu.memory_space<hbm>>
    %dma_wait3A_150 = arith.constant 128 : i32
    %dma_wait3A_151 = arith.constant 0 : i32
    %dma_wait3A_152 = tpu.memref_slice %arg6[%dma_wait3A_142, %dma_wait3A_150, %dma_wait3A_151] : memref<6x200x16xf32, #tpu.memory_space<vmem>> -> memref<1x72x16xf32, #tpu.memory_space<vmem>>
    %dma_wait3A_153 = tpu.memref_squeeze %dma_wait3A_152 : memref<1x72x16xf32, #tpu.memory_space<vmem>> -> memref<72x16xf32, #tpu.memory_space<vmem>>
    %dma_wait3A_154 = arith.constant 0 : i32
    %dma_wait3A_155 = arith.constant 0 : i32
    %dma_wait3A_156 = tpu.memref_slice %arg3[%dma_wait3A_154, %dma_wait3A_155] : memref<100000x16xf32, #tpu.memory_space<hbm>> -> memref<72x16xf32, #tpu.memory_space<hbm>>
    tpu.wait_dma2 semaphore(%arg8 : memref<!tpu.dma_semaphore, #tpu.memory_space<semaphore_mem>>) src(%dma_wait3A_156 : memref<72x16xf32, #tpu.memory_space<hbm>>) dst(%dma_wait3A_153 : memref<72x16xf32, #tpu.memory_space<vmem>>)
    %broadcast_in_dim3A = arith.constant 0.000000e+00 : f32
    %broadcast_in_dim3A_157 = vector.broadcast %broadcast_in_dim3A : f32 to vector<16xf32>
    %scan3A_158 = arith.constant 0 : i32
    %scan3A_159 = arith.constant 25 : i32
    %scan3A_160 = arith.addi %scan3A_158, %scan3A_159 : i32
    %scan3A_161 = arith.constant 1 : i32
    %scan3A_162:8 = scf.for %scan3A_229 = %scan3A_158 to %scan3A_160 step %scan3A_161 iter_args(%scan3A_230 = %broadcast_in_dim3A_157, %scan3A_231 = %broadcast_in_dim3A_157, %scan3A_232 = %broadcast_in_dim3A_157, %scan3A_233 = %broadcast_in_dim3A_157, %scan3A_234 = %broadcast_in_dim3A_157, %scan3A_235 = %broadcast_in_dim3A_157, %scan3A_236 = %broadcast_in_dim3A_157, %scan3A_237 = %broadcast_in_dim3A_157) -> (vector<16xf32>, vector<16xf32>, vector<16xf32>, vector<16xf32>, vector<16xf32>, vector<16xf32>, vector<16xf32>, vector<16xf32>)  : i32 {
      %mul3A_238 = arith.constant 8 : i32
      %mul3A_239 = arith.muli %scan3A_229, %mul3A_238 : i32
      %add3A_240 = arith.constant 0 : i32
      %add3A_241 = arith.addi %mul3A_239, %add3A_240 : i32
      %get3A = arith.constant 0 : i32
      %get3A_242 = arith.index_cast %get3A : i32 to index
      %get3A_243 = arith.index_cast %add3A_241 : i32 to index
      %get3A_244 = arith.constant 0 : index
      %get3A_245 = tpu.vector_load %arg6[%get3A_242, %get3A_243, %get3A_244] {strides = array<i32>} : memref<6x200x16xf32, #tpu.memory_space<vmem>>, vector<1x1x16xf32>,
      %get3A_246 = vector.shape_cast %get3A_245 : vector<1x1x16xf32> to vector<16xf32>
      %add3A_247 = arith.addf %scan3A_230, %get3A_246 : vector<16xf32>
      %add3A_248 = arith.constant 1 : i32
      %add3A_249 = arith.addi %mul3A_239, %add3A_248 : i32
      %get3A_250 = arith.constant 0 : i32
      %get3A_251 = arith.index_cast %get3A_250 : i32 to index
      %get3A_252 = arith.index_cast %add3A_249 : i32 to index
      %get3A_253 = arith.constant 0 : index
      %get3A_254 = tpu.vector_load %arg6[%get3A_251, %get3A_252, %get3A_253] {strides = array<i32>} : memref<6x200x16xf32, #tpu.memory_space<vmem>>, vector<1x1x16xf32>,
      %get3A_255 = vector.shape_cast %get3A_254 : vector<1x1x16xf32> to vector<16xf32>
      %add3A_256 = arith.addf %scan3A_231, %get3A_255 : vector<16xf32>
      %add3A_257 = arith.constant 2 : i32
      %add3A_258 = arith.addi %mul3A_239, %add3A_257 : i32
      %get3A_259 = arith.constant 0 : i32
      %get3A_260 = arith.index_cast %get3A_259 : i32 to index
      %get3A_261 = arith.index_cast %add3A_258 : i32 to index
      %get3A_262 = arith.constant 0 : index
      %get3A_263 = tpu.vector_load %arg6[%get3A_260, %get3A_261, %get3A_262] {strides = array<i32>} : memref<6x200x16xf32, #tpu.memory_space<vmem>>, vector<1x1x16xf32>,
      %get3A_264 = vector.shape_cast %get3A_263 : vector<1x1x16xf32> to vector<16xf32>
      %add3A_265 = arith.addf %scan3A_232, %get3A_264 : vector<16xf32>
      %add3A_266 = arith.constant 3 : i32
      %add3A_267 = arith.addi %mul3A_239, %add3A_266 : i32
      %get3A_268 = arith.constant 0 : i32
      %get3A_269 = arith.index_cast %get3A_268 : i32 to index
      %get3A_270 = arith.index_cast %add3A_267 : i32 to index
      %get3A_271 = arith.constant 0 : index
      %get3A_272 = tpu.vector_load %arg6[%get3A_269, %get3A_270, %get3A_271] {strides = array<i32>} : memref<6x200x16xf32, #tpu.memory_space<vmem>>, vector<1x1x16xf32>,
      %get3A_273 = vector.shape_cast %get3A_272 : vector<1x1x16xf32> to vector<16xf32>
      %add3A_274 = arith.addf %scan3A_233, %get3A_273 : vector<16xf32>
      %add3A_275 = arith.constant 4 : i32
      %add3A_276 = arith.addi %mul3A_239, %add3A_275 : i32
      %get3A_277 = arith.constant 0 : i32
      %get3A_278 = arith.index_cast %get3A_277 : i32 to index
      %get3A_279 = arith.index_cast %add3A_276 : i32 to index
      %get3A_280 = arith.constant 0 : index
      %get3A_281 = tpu.vector_load %arg6[%get3A_278, %get3A_279, %get3A_280] {strides = array<i32>} : memref<6x200x16xf32, #tpu.memory_space<vmem>>, vector<1x1x16xf32>,
      %get3A_282 = vector.shape_cast %get3A_281 : vector<1x1x16xf32> to vector<16xf32>
      %add3A_283 = arith.addf %scan3A_234, %get3A_282 : vector<16xf32>
      %add3A_284 = arith.constant 5 : i32
      %add3A_285 = arith.addi %mul3A_239, %add3A_284 : i32
      %get3A_286 = arith.constant 0 : i32
      %get3A_287 = arith.index_cast %get3A_286 : i32 to index
      %get3A_288 = arith.index_cast %add3A_285 : i32 to index
      %get3A_289 = arith.constant 0 : index
      %get3A_290 = tpu.vector_load %arg6[%get3A_287, %get3A_288, %get3A_289] {strides = array<i32>} : memref<6x200x16xf32, #tpu.memory_space<vmem>>, vector<1x1x16xf32>,
      %get3A_291 = vector.shape_cast %get3A_290 : vector<1x1x16xf32> to vector<16xf32>
      %add3A_292 = arith.addf %scan3A_235, %get3A_291 : vector<16xf32>
      %add3A_293 = arith.constant 6 : i32
      %add3A_294 = arith.addi %mul3A_239, %add3A_293 : i32
      %get3A_295 = arith.constant 0 : i32
      %get3A_296 = arith.index_cast %get3A_295 : i32 to index
      %get3A_297 = arith.index_cast %add3A_294 : i32 to index
      %get3A_298 = arith.constant 0 : index
      %get3A_299 = tpu.vector_load %arg6[%get3A_296, %get3A_297, %get3A_298] {strides = array<i32>} : memref<6x200x16xf32, #tpu.memory_space<vmem>>, vector<1x1x16xf32>,
      %get3A_300 = vector.shape_cast %get3A_299 : vector<1x1x16xf32> to vector<16xf32>
      %add3A_301 = arith.addf %scan3A_236, %get3A_300 : vector<16xf32>
      %add3A_302 = arith.constant 7 : i32
      %add3A_303 = arith.addi %mul3A_239, %add3A_302 : i32
      %get3A_304 = arith.constant 0 : i32
      %get3A_305 = arith.index_cast %get3A_304 : i32 to index
      %get3A_306 = arith.index_cast %add3A_303 : i32 to index
      %get3A_307 = arith.constant 0 : index
      %get3A_308 = tpu.vector_load %arg6[%get3A_305, %get3A_306, %get3A_307] {strides = array<i32>} : memref<6x200x16xf32, #tpu.memory_space<vmem>>, vector<1x1x16xf32>,
      %get3A_309 = vector.shape_cast %get3A_308 : vector<1x1x16xf32> to vector<16xf32>
      %add3A_310 = arith.addf %scan3A_237, %get3A_309 : vector<16xf32>
      scf.yield %add3A_247, %add3A_256, %add3A_265, %add3A_274, %add3A_283, %add3A_292, %add3A_301, %add3A_310 : vector<16xf32>, vector<16xf32>, vector<16xf32>, vector<16xf32>, vector<16xf32>, vector<16xf32>, vector<16xf32>, vector<16xf32>
    }
    %scan3A_163 = arith.constant 25 : i32
    %add3A_164 = arith.addf %scan3A_162#0, %scan3A_162#1 : vector<16xf32>
    %add3A_165 = arith.addf %add3A_164, %scan3A_162#2 : vector<16xf32>
    %add3A_166 = arith.addf %add3A_165, %scan3A_162#3 : vector<16xf32>
    %add3A_167 = arith.addf %add3A_166, %scan3A_162#4 : vector<16xf32>
    %add3A_168 = arith.addf %add3A_167, %scan3A_162#5 : vector<16xf32>
    %add3A_169 = arith.addf %add3A_168, %scan3A_162#6 : vector<16xf32>
    %add3A_170 = arith.addf %add3A_169, %scan3A_162#7 : vector<16xf32>
    %swap3A = arith.constant 126 : i32
    %swap3A_171 = arith.index_cast %swap3A : i32 to index
    %swap3A_172 = arith.constant 0 : index
    %swap3A_173 = tpu.vector_load %arg7[%swap3A_171, %swap3A_172] {strides = array<i32>} : memref<128x16xf32, #tpu.memory_space<vmem>>, vector<1x16xf32>,
    %swap3A_174 = vector.shape_cast %swap3A_173 : vector<1x16xf32> to vector<16xf32>
    %swap3A_175 = vector.shape_cast %add3A_170 : vector<16xf32> to vector<1x16xf32>
    tpu.vector_store %arg7[%swap3A_171, %swap3A_172], %swap3A_175 {strides = array<i32>} : memref<128x16xf32, #tpu.memory_space<vmem>>, vector<1x16xf32>,
    %dma_wait3A_176 = arith.constant 1 : i32
    %dma_wait3A_177 = arith.constant 0 : i32
    %dma_wait3A_178 = arith.constant 0 : i32
    %dma_wait3A_179 = tpu.memref_slice %arg6[%dma_wait3A_176, %dma_wait3A_177, %dma_wait3A_178] : memref<6x200x16xf32, #tpu.memory_space<vmem>> -> memref<1x128x16xf32, #tpu.memory_space<vmem>>
    %dma_wait3A_180 = tpu.memref_squeeze %dma_wait3A_179 : memref<1x128x16xf32, #tpu.memory_space<vmem>> -> memref<128x16xf32, #tpu.memory_space<vmem>>
    %dma_wait3A_181 = arith.constant 0 : i32
    %dma_wait3A_182 = arith.constant 0 : i32
    %dma_wait3A_183 = tpu.memref_slice %arg3[%dma_wait3A_181, %dma_wait3A_182] : memref<100000x16xf32, #tpu.memory_space<hbm>> -> memref<128x16xf32, #tpu.memory_space<hbm>>
    %dma_wait3A_184 = arith.constant 0 : i32
    %dma_wait3A_185 = arith.constant 0 : i32
    %dma_wait3A_186 = tpu.memref_slice %arg6[%dma_wait3A_176, %dma_wait3A_184, %dma_wait3A_185] : memref<6x200x16xf32, #tpu.memory_space<vmem>> -> memref<1x128x16xf32, #tpu.memory_space<vmem>>
    %dma_wait3A_187 = tpu.memref_squeeze %dma_wait3A_186 : memref<1x128x16xf32, #tpu.memory_space<vmem>> -> memref<128x16xf32, #tpu.memory_space<vmem>>
    %dma_wait3A_188 = arith.constant 0 : i32
    %dma_wait3A_189 = arith.constant 0 : i32
    %dma_wait3A_190 = tpu.memref_slice %arg3[%dma_wait3A_188, %dma_wait3A_189] : memref<100000x16xf32, #tpu.memory_space<hbm>> -> memref<128x16xf32, #tpu.memory_space<hbm>>
    tpu.wait_dma2 semaphore(%arg9 : memref<!tpu.dma_semaphore, #tpu.memory_space<semaphore_mem>>) src(%dma_wait3A_190 : memref<128x16xf32, #tpu.memory_space<hbm>>) dst(%dma_wait3A_187 : memref<128x16xf32, #tpu.memory_space<vmem>>)
    %dma_wait3A_191 = arith.constant 1 : i32
    %dma_wait3A_192 = arith.constant 128 : i32
    %dma_wait3A_193 = arith.constant 0 : i32
    %dma_wait3A_194 = tpu.memref_slice %arg6[%dma_wait3A_191, %dma_wait3A_192, %dma_wait3A_193] : memref<6x200x16xf32, #tpu.memory_space<vmem>> -> memref<1x72x16xf32, #tpu.memory_space<vmem>>
    %dma_wait3A_195 = tpu.memref_squeeze %dma_wait3A_194 : memref<1x72x16xf32, #tpu.memory_space<vmem>> -> memref<72x16xf32, #tpu.memory_space<vmem>>
    %dma_wait3A_196 = arith.constant 0 : i32
    %dma_wait3A_197 = arith.constant 0 : i32
    %dma_wait3A_198 = tpu.memref_slice %arg3[%dma_wait3A_196, %dma_wait3A_197] : memref<100000x16xf32, #tpu.memory_space<hbm>> -> memref<72x16xf32, #tpu.memory_space<hbm>>
    %dma_wait3A_199 = arith.constant 128 : i32
    %dma_wait3A_200 = arith.constant 0 : i32
    %dma_wait3A_201 = tpu.memref_slice %arg6[%dma_wait3A_191, %dma_wait3A_199, %dma_wait3A_200] : memref<6x200x16xf32, #tpu.memory_space<vmem>> -> memref<1x72x16xf32, #tpu.memory_space<vmem>>
    %dma_wait3A_202 = tpu.memref_squeeze %dma_wait3A_201 : memref<1x72x16xf32, #tpu.memory_space<vmem>> -> memref<72x16xf32, #tpu.memory_space<vmem>>
    %dma_wait3A_203 = arith.constant 0 : i32
    %dma_wait3A_204 = arith.constant 0 : i32
    %dma_wait3A_205 = tpu.memref_slice %arg3[%dma_wait3A_203, %dma_wait3A_204] : memref<100000x16xf32, #tpu.memory_space<hbm>> -> memref<72x16xf32, #tpu.memory_space<hbm>>
    tpu.wait_dma2 semaphore(%arg9 : memref<!tpu.dma_semaphore, #tpu.memory_space<semaphore_mem>>) src(%dma_wait3A_205 : memref<72x16xf32, #tpu.memory_space<hbm>>) dst(%dma_wait3A_202 : memref<72x16xf32, #tpu.memory_space<vmem>>)
    %broadcast_in_dim3A_206 = arith.constant 0.000000e+00 : f32
    %broadcast_in_dim3A_207 = vector.broadcast %broadcast_in_dim3A_206 : f32 to vector<16xf32>
    %scan3A_208 = arith.constant 0 : i32
    %scan3A_209 = arith.constant 25 : i32
    %scan3A_210 = arith.addi %scan3A_208, %scan3A_209 : i32
    %scan3A_211 = arith.constant 1 : i32
    %scan3A_212:8 = scf.for %scan3A_229 = %scan3A_208 to %scan3A_210 step %scan3A_211 iter_args(%scan3A_230 = %broadcast_in_dim3A_207, %scan3A_231 = %broadcast_in_dim3A_207, %scan3A_232 = %broadcast_in_dim3A_207, %scan3A_233 = %broadcast_in_dim3A_207, %scan3A_234 = %broadcast_in_dim3A_207, %scan3A_235 = %broadcast_in_dim3A_207, %scan3A_236 = %broadcast_in_dim3A_207, %scan3A_237 = %broadcast_in_dim3A_207) -> (vector<16xf32>, vector<16xf32>, vector<16xf32>, vector<16xf32>, vector<16xf32>, vector<16xf32>, vector<16xf32>, vector<16xf32>)  : i32 {
      %mul3A_238 = arith.constant 8 : i32
      %mul3A_239 = arith.muli %scan3A_229, %mul3A_238 : i32
      %add3A_240 = arith.constant 0 : i32
      %add3A_241 = arith.addi %mul3A_239, %add3A_240 : i32
      %get3A = arith.constant 1 : i32
      %get3A_242 = arith.index_cast %get3A : i32 to index
      %get3A_243 = arith.index_cast %add3A_241 : i32 to index
      %get3A_244 = arith.constant 0 : index
      %get3A_245 = tpu.vector_load %arg6[%get3A_242, %get3A_243, %get3A_244] {strides = array<i32>} : memref<6x200x16xf32, #tpu.memory_space<vmem>>, vector<1x1x16xf32>,
      %get3A_246 = vector.shape_cast %get3A_245 : vector<1x1x16xf32> to vector<16xf32>
      %add3A_247 = arith.addf %scan3A_230, %get3A_246 : vector<16xf32>
      %add3A_248 = arith.constant 1 : i32
      %add3A_249 = arith.addi %mul3A_239, %add3A_248 : i32
      %get3A_250 = arith.constant 1 : i32
      %get3A_251 = arith.index_cast %get3A_250 : i32 to index
      %get3A_252 = arith.index_cast %add3A_249 : i32 to index
      %get3A_253 = arith.constant 0 : index
      %get3A_254 = tpu.vector_load %arg6[%get3A_251, %get3A_252, %get3A_253] {strides = array<i32>} : memref<6x200x16xf32, #tpu.memory_space<vmem>>, vector<1x1x16xf32>,
      %get3A_255 = vector.shape_cast %get3A_254 : vector<1x1x16xf32> to vector<16xf32>
      %add3A_256 = arith.addf %scan3A_231, %get3A_255 : vector<16xf32>
      %add3A_257 = arith.constant 2 : i32
      %add3A_258 = arith.addi %mul3A_239, %add3A_257 : i32
      %get3A_259 = arith.constant 1 : i32
      %get3A_260 = arith.index_cast %get3A_259 : i32 to index
      %get3A_261 = arith.index_cast %add3A_258 : i32 to index
      %get3A_262 = arith.constant 0 : index
      %get3A_263 = tpu.vector_load %arg6[%get3A_260, %get3A_261, %get3A_262] {strides = array<i32>} : memref<6x200x16xf32, #tpu.memory_space<vmem>>, vector<1x1x16xf32>,
      %get3A_264 = vector.shape_cast %get3A_263 : vector<1x1x16xf32> to vector<16xf32>
      %add3A_265 = arith.addf %scan3A_232, %get3A_264 : vector<16xf32>
      %add3A_266 = arith.constant 3 : i32
      %add3A_267 = arith.addi %mul3A_239, %add3A_266 : i32
      %get3A_268 = arith.constant 1 : i32
      %get3A_269 = arith.index_cast %get3A_268 : i32 to index
      %get3A_270 = arith.index_cast %add3A_267 : i32 to index
      %get3A_271 = arith.constant 0 : index
      %get3A_272 = tpu.vector_load %arg6[%get3A_269, %get3A_270, %get3A_271] {strides = array<i32>} : memref<6x200x16xf32, #tpu.memory_space<vmem>>, vector<1x1x16xf32>,
      %get3A_273 = vector.shape_cast %get3A_272 : vector<1x1x16xf32> to vector<16xf32>
      %add3A_274 = arith.addf %scan3A_233, %get3A_273 : vector<16xf32>
      %add3A_275 = arith.constant 4 : i32
      %add3A_276 = arith.addi %mul3A_239, %add3A_275 : i32
      %get3A_277 = arith.constant 1 : i32
      %get3A_278 = arith.index_cast %get3A_277 : i32 to index
      %get3A_279 = arith.index_cast %add3A_276 : i32 to index
      %get3A_280 = arith.constant 0 : index
      %get3A_281 = tpu.vector_load %arg6[%get3A_278, %get3A_279, %get3A_280] {strides = array<i32>} : memref<6x200x16xf32, #tpu.memory_space<vmem>>, vector<1x1x16xf32>,
      %get3A_282 = vector.shape_cast %get3A_281 : vector<1x1x16xf32> to vector<16xf32>
      %add3A_283 = arith.addf %scan3A_234, %get3A_282 : vector<16xf32>
      %add3A_284 = arith.constant 5 : i32
      %add3A_285 = arith.addi %mul3A_239, %add3A_284 : i32
      %get3A_286 = arith.constant 1 : i32
      %get3A_287 = arith.index_cast %get3A_286 : i32 to index
      %get3A_288 = arith.index_cast %add3A_285 : i32 to index
      %get3A_289 = arith.constant 0 : index
      %get3A_290 = tpu.vector_load %arg6[%get3A_287, %get3A_288, %get3A_289] {strides = array<i32>} : memref<6x200x16xf32, #tpu.memory_space<vmem>>, vector<1x1x16xf32>,
      %get3A_291 = vector.shape_cast %get3A_290 : vector<1x1x16xf32> to vector<16xf32>
      %add3A_292 = arith.addf %scan3A_235, %get3A_291 : vector<16xf32>
      %add3A_293 = arith.constant 6 : i32
      %add3A_294 = arith.addi %mul3A_239, %add3A_293 : i32
      %get3A_295 = arith.constant 1 : i32
      %get3A_296 = arith.index_cast %get3A_295 : i32 to index
      %get3A_297 = arith.index_cast %add3A_294 : i32 to index
      %get3A_298 = arith.constant 0 : index
      %get3A_299 = tpu.vector_load %arg6[%get3A_296, %get3A_297, %get3A_298] {strides = array<i32>} : memref<6x200x16xf32, #tpu.memory_space<vmem>>, vector<1x1x16xf32>,
      %get3A_300 = vector.shape_cast %get3A_299 : vector<1x1x16xf32> to vector<16xf32>
      %add3A_301 = arith.addf %scan3A_236, %get3A_300 : vector<16xf32>
      %add3A_302 = arith.constant 7 : i32
      %add3A_303 = arith.addi %mul3A_239, %add3A_302 : i32
      %get3A_304 = arith.constant 1 : i32
      %get3A_305 = arith.index_cast %get3A_304 : i32 to index
      %get3A_306 = arith.index_cast %add3A_303 : i32 to index
      %get3A_307 = arith.constant 0 : index
      %get3A_308 = tpu.vector_load %arg6[%get3A_305, %get3A_306, %get3A_307] {strides = array<i32>} : memref<6x200x16xf32, #tpu.memory_space<vmem>>, vector<1x1x16xf32>,
      %get3A_309 = vector.shape_cast %get3A_308 : vector<1x1x16xf32> to vector<16xf32>
      %add3A_310 = arith.addf %scan3A_237, %get3A_309 : vector<16xf32>
      scf.yield %add3A_247, %add3A_256, %add3A_265, %add3A_274, %add3A_283, %add3A_292, %add3A_301, %add3A_310 : vector<16xf32>, vector<16xf32>, vector<16xf32>, vector<16xf32>, vector<16xf32>, vector<16xf32>, vector<16xf32>, vector<16xf32>
    }
    %scan3A_213 = arith.constant 25 : i32
    %add3A_214 = arith.addf %scan3A_212#0, %scan3A_212#1 : vector<16xf32>
    %add3A_215 = arith.addf %add3A_214, %scan3A_212#2 : vector<16xf32>
    %add3A_216 = arith.addf %add3A_215, %scan3A_212#3 : vector<16xf32>
    %add3A_217 = arith.addf %add3A_216, %scan3A_212#4 : vector<16xf32>
    %add3A_218 = arith.addf %add3A_217, %scan3A_212#5 : vector<16xf32>
    %add3A_219 = arith.addf %add3A_218, %scan3A_212#6 : vector<16xf32>
    %add3A_220 = arith.addf %add3A_219, %scan3A_212#7 : vector<16xf32>
    %swap3A_221 = arith.constant 127 : i32
    %swap3A_222 = arith.index_cast %swap3A_221 : i32 to index
    %swap3A_223 = arith.constant 0 : index
    %swap3A_224 = tpu.vector_load %arg7[%swap3A_222, %swap3A_223] {strides = array<i32>} : memref<128x16xf32, #tpu.memory_space<vmem>>, vector<1x16xf32>,
    %swap3A_225 = vector.shape_cast %swap3A_224 : vector<1x16xf32> to vector<16xf32>
    %swap3A_226 = vector.shape_cast %add3A_220 : vector<16xf32> to vector<1x16xf32>
    tpu.vector_store %arg7[%swap3A_222, %swap3A_223], %swap3A_226 {strides = array<i32>} : memref<128x16xf32, #tpu.memory_space<vmem>>, vector<1x16xf32>,
    %mul3A_227 = arith.constant 128 : i32
    %mul3A_228 = arith.muli %add3A, %mul3A_227 : i32
    "tpu.region"() ({
      %run_scoped3A = tpu.sem_alloc : memref<!tpu.dma_semaphore, #tpu.memory_space<semaphore_mem>>
      %dma_start3A_229 = arith.constant 0 : i32
      %dma_start3A_230 = tpu.memref_slice %arg4[%mul3A_228, %dma_start3A_229] : memref<4096x16xf32, #tpu.memory_space<hbm>> -> memref<128x16xf32, #tpu.memory_space<hbm>>
      %dma_start3A_231 = arith.constant 0 : i32
      %dma_start3A_232 = tpu.memref_slice %arg4[%mul3A_228, %dma_start3A_231] : memref<4096x16xf32, #tpu.memory_space<hbm>> -> memref<128x16xf32, #tpu.memory_space<hbm>>
      tpu.enqueue_dma source(%arg7 : memref<128x16xf32, #tpu.memory_space<vmem>>) target(%dma_start3A_232 : memref<128x16xf32, #tpu.memory_space<hbm>>) target_semaphore(%run_scoped3A : memref<!tpu.dma_semaphore, #tpu.memory_space<semaphore_mem>>)
      %dma_wait3A_233 = arith.constant 0 : i32
      %dma_wait3A_234 = tpu.memref_slice %arg4[%mul3A_228, %dma_wait3A_233] : memref<4096x16xf32, #tpu.memory_space<hbm>> -> memref<128x16xf32, #tpu.memory_space<hbm>>
      %dma_wait3A_235 = arith.constant 0 : i32
      %dma_wait3A_236 = tpu.memref_slice %arg4[%mul3A_228, %dma_wait3A_235] : memref<4096x16xf32, #tpu.memory_space<hbm>> -> memref<128x16xf32, #tpu.memory_space<hbm>>
      tpu.wait_dma2 semaphore(%run_scoped3A : memref<!tpu.dma_semaphore, #tpu.memory_space<semaphore_mem>>) src(%arg7 : memref<128x16xf32, #tpu.memory_space<vmem>>) dst(%dma_wait3A_236 : memref<128x16xf32, #tpu.memory_space<hbm>>)
      tpu.yield
    }) : () -> ()
    return
  }
}

module attributes {stable_mosaic.version = 14 : i64} {
  func.func @_proj_body(%arg0: i32, %arg1: memref<12800x64xf32, #tpu.memory_space<vmem>>, %arg2: memref<64x64xf32, #tpu.memory_space<vmem>>, %arg3: memref<16x64xf32, #tpu.memory_space<vmem>>, %arg4: memref<1600x128xf32, #tpu.memory_space<vmem>>) attributes {dimension_semantics = [#tpu.dimension_semantics<arbitrary>], iteration_bounds = array<i64: 8>, scalar_prefetch = 0 : i64, scratch_operands = 0 : i64, tpu.core_type = #tpu.core_type<tc>, window_params = [{transform_indices = @transform_0, window_bounds = array<i64: 12800, 64>}, {pipeline_mode = #tpu.pipeline_mode<synchronous>, transform_indices = @transform_1, window_bounds = array<i64: 64, 64>}, {pipeline_mode = #tpu.pipeline_mode<synchronous>, transform_indices = @transform_2, window_bounds = array<i64: 16, 64>}, {transform_indices = @transform_3, window_bounds = array<i64: 1600, 128>}]} {
    %get3A = arith.constant 0 : index
    %get3A_0 = arith.constant 0 : index
    %get3A_1 = vector.load %arg2[%get3A, %get3A_0] : memref<64x64xf32, #tpu.memory_space<vmem>>, vector<64x64xf32>
    %get3A_2 = arith.constant 0 : index
    %get3A_3 = arith.constant 0 : index
    %get3A_4 = vector.load %arg3[%get3A_2, %get3A_3] : memref<16x64xf32, #tpu.memory_space<vmem>>, vector<16x64xf32>
    %dot_general3A = arith.constant dense<0.000000e+00> : vector<64x16xf32>
    %dot_general3A_5 = tpu.matmul %get3A_1, %get3A_4, %dot_general3A {dimension_numbers = #tpu.dot_dimension_numbers<[0], [1], [1], [0], [0, 1, 1, 0], [], []>, transpose_lhs_hint = false} : vector<64x64xf32>, vector<16x64xf32>, vector<64x16xf32> -> vector<64x16xf32>
    %mul3A = arith.constant 5.000000e-03 : f32
    %mul3A_6 = vector.broadcast %mul3A : f32 to vector<64x16xf32>
    %mul3A_7 = arith.mulf %dot_general3A_5, %mul3A_6 : vector<64x16xf32>
    %get3A_8 = arith.constant 0 : index
    %get3A_9 = arith.constant 0 : index
    %get3A_10 = vector.load %arg1[%get3A_8, %get3A_9] : memref<12800x64xf32, #tpu.memory_space<vmem>>, vector<12800x64xf32>
    %broadcast_in_dim3A = arith.constant 0.000000e+00 : f32
    %broadcast_in_dim3A_11 = vector.broadcast %broadcast_in_dim3A : f32 to vector<12800x64xf32>
    %concatenate3A = tpu.concatenate %get3A_10, %broadcast_in_dim3A_11 in 1 : vector<12800x64xf32>, vector<12800x64xf32> -> vector<12800x128xf32>
    %reshape3A = vector.shape_cast %concatenate3A : vector<12800x128xf32> to vector<1600x1024xf32>
    %broadcast_in_dim3A_12 = arith.constant 0.000000e+00 : f32
    %broadcast_in_dim3A_13 = vector.broadcast %broadcast_in_dim3A_12 : f32 to vector<64x16xf32>
    %concatenate3A_14 = tpu.concatenate %mul3A_7, %broadcast_in_dim3A_13 in 0 : vector<64x16xf32>, vector<64x16xf32> -> vector<128x16xf32>
    %tile3A = tpu.concatenate %concatenate3A_14, %concatenate3A_14, %concatenate3A_14, %concatenate3A_14, %concatenate3A_14, %concatenate3A_14, %concatenate3A_14, %concatenate3A_14 in 0 : vector<128x16xf32>, vector<128x16xf32>, vector<128x16xf32>, vector<128x16xf32>, vector<128x16xf32>, vector<128x16xf32>, vector<128x16xf32>, vector<128x16xf32> -> vector<1024x16xf32>
    %tile3A_15 = tpu.concatenate %tile3A, %tile3A, %tile3A, %tile3A, %tile3A, %tile3A, %tile3A, %tile3A in 1 : vector<1024x16xf32>, vector<1024x16xf32>, vector<1024x16xf32>, vector<1024x16xf32>, vector<1024x16xf32>, vector<1024x16xf32>, vector<1024x16xf32>, vector<1024x16xf32> -> vector<1024x128xf32>
    %iota3A = tpu.iota {dimensions = array<i32: 0>} : vector<1024x128xi32>
    %jit3A = arith.constant 128 : i32
    %div3A = vector.broadcast %jit3A : i32 to vector<1024x128xi32>
    %div3A_16 = arith.divsi %iota3A, %div3A : vector<1024x128xi32>
    %sign3A = arith.constant 0 : i32
    %sign3A_17 = vector.broadcast %sign3A : i32 to vector<1024x128xi32>
    %sign3A_18 = arith.cmpi sgt, %iota3A, %sign3A_17 : vector<1024x128xi32>
    %sign3A_19 = arith.extui %sign3A_18 : vector<1024x128xi1> to vector<1024x128xi32>
    %sign3A_20 = arith.constant 0 : i32
    %sign3A_21 = vector.broadcast %sign3A_20 : i32 to vector<1024x128xi32>
    %sign3A_22 = arith.cmpi slt, %iota3A, %sign3A_21 : vector<1024x128xi32>
    %sign3A_23 = arith.extui %sign3A_22 : vector<1024x128xi1> to vector<1024x128xi32>
    %sign3A_24 = arith.subi %sign3A_19, %sign3A_23 : vector<1024x128xi32>
    %sign3A_25 = arith.constant 0 : i32
    %sign3A_26 = arith.cmpi sgt, %jit3A, %sign3A_25 : i32
    %sign3A_27 = arith.extui %sign3A_26 : i1 to i32
    %sign3A_28 = arith.constant 0 : i32
    %sign3A_29 = arith.cmpi slt, %jit3A, %sign3A_28 : i32
    %sign3A_30 = arith.extui %sign3A_29 : i1 to i32
    %sign3A_31 = arith.subi %sign3A_27, %sign3A_30 : i32
    %ne3A = vector.broadcast %sign3A_31 : i32 to vector<1024x128xi32>
    %ne3A_32 = arith.cmpi ne, %sign3A_24, %ne3A : vector<1024x128xi32>
    %rem3A = vector.broadcast %jit3A : i32 to vector<1024x128xi32>
    %rem3A_33 = arith.remsi %iota3A, %rem3A : vector<1024x128xi32>
    %ne3A_34 = arith.constant 0 : i32
    %ne3A_35 = vector.broadcast %ne3A_34 : i32 to vector<1024x128xi32>
    %ne3A_36 = arith.cmpi ne, %rem3A_33, %ne3A_35 : vector<1024x128xi32>
    %and3A = arith.andi %ne3A_32, %ne3A_36 : vector<1024x128xi1>
    %sub3A = arith.constant 1 : i32
    %sub3A_37 = vector.broadcast %sub3A : i32 to vector<1024x128xi32>
    %sub3A_38 = arith.subi %div3A_16, %sub3A_37 : vector<1024x128xi32>
    %select_n3A = arith.select %and3A, %sub3A_38, %div3A_16 : vector<1024x128xi1>, vector<1024x128xi32>
    %iota3A_39 = tpu.iota {dimensions = array<i32: 1>} : vector<1024x128xi32>
    %jit3A_40 = arith.constant 16 : i32
    %div3A_41 = vector.broadcast %jit3A_40 : i32 to vector<1024x128xi32>
    %div3A_42 = arith.divsi %iota3A_39, %div3A_41 : vector<1024x128xi32>
    %sign3A_43 = arith.constant 0 : i32
    %sign3A_44 = vector.broadcast %sign3A_43 : i32 to vector<1024x128xi32>
    %sign3A_45 = arith.cmpi sgt, %iota3A_39, %sign3A_44 : vector<1024x128xi32>
    %sign3A_46 = arith.extui %sign3A_45 : vector<1024x128xi1> to vector<1024x128xi32>
    %sign3A_47 = arith.constant 0 : i32
    %sign3A_48 = vector.broadcast %sign3A_47 : i32 to vector<1024x128xi32>
    %sign3A_49 = arith.cmpi slt, %iota3A_39, %sign3A_48 : vector<1024x128xi32>
    %sign3A_50 = arith.extui %sign3A_49 : vector<1024x128xi1> to vector<1024x128xi32>
    %sign3A_51 = arith.subi %sign3A_46, %sign3A_50 : vector<1024x128xi32>
    %sign3A_52 = arith.constant 0 : i32
    %sign3A_53 = arith.cmpi sgt, %jit3A_40, %sign3A_52 : i32
    %sign3A_54 = arith.extui %sign3A_53 : i1 to i32
    %sign3A_55 = arith.constant 0 : i32
    %sign3A_56 = arith.cmpi slt, %jit3A_40, %sign3A_55 : i32
    %sign3A_57 = arith.extui %sign3A_56 : i1 to i32
    %sign3A_58 = arith.subi %sign3A_54, %sign3A_57 : i32
    %ne3A_59 = vector.broadcast %sign3A_58 : i32 to vector<1024x128xi32>
    %ne3A_60 = arith.cmpi ne, %sign3A_51, %ne3A_59 : vector<1024x128xi32>
    %rem3A_61 = vector.broadcast %jit3A_40 : i32 to vector<1024x128xi32>
    %rem3A_62 = arith.remsi %iota3A_39, %rem3A_61 : vector<1024x128xi32>
    %ne3A_63 = arith.constant 0 : i32
    %ne3A_64 = vector.broadcast %ne3A_63 : i32 to vector<1024x128xi32>
    %ne3A_65 = arith.cmpi ne, %rem3A_62, %ne3A_64 : vector<1024x128xi32>
    %and3A_66 = arith.andi %ne3A_60, %ne3A_65 : vector<1024x128xi1>
    %sub3A_67 = arith.constant 1 : i32
    %sub3A_68 = vector.broadcast %sub3A_67 : i32 to vector<1024x128xi32>
    %sub3A_69 = arith.subi %div3A_42, %sub3A_68 : vector<1024x128xi32>
    %select_n3A_70 = arith.select %and3A_66, %sub3A_69, %div3A_42 : vector<1024x128xi1>, vector<1024x128xi32>
    %eq3A = arith.cmpi eq, %select_n3A, %select_n3A_70 : vector<1024x128xi32>
    %jit3A_71 = arith.constant 0.000000e+00 : f32
    %broadcast_in_dim3A_72 = vector.broadcast %jit3A_71 : f32 to vector<1024x128xf32>
    %select_n3A_73 = arith.select %eq3A, %tile3A_15, %broadcast_in_dim3A_72 : vector<1024x128xi1>, vector<1024x128xf32>
    %dot_general3A_74 = arith.constant dense<0.000000e+00> : vector<1600x128xf32>
    %dot_general3A_75 = tpu.matmul %reshape3A, %select_n3A_73, %dot_general3A_74 {dimension_numbers = #tpu.dot_dimension_numbers<[1], [0], [0], [1], [0, 0, 1, 1], [], []>, transpose_lhs_hint = false} : vector<1600x1024xf32>, vector<1024x128xf32>, vector<1600x128xf32> -> vector<1600x128xf32>
    %iota3A_76 = tpu.iota {dimensions = array<i32: 0>} : vector<1600x128xi32>
    %iota3A_77 = tpu.iota {dimensions = array<i32: 1>} : vector<1600x128xi32>
    %eq3A_78 = arith.constant 0 : i32
    %eq3A_79 = vector.broadcast %eq3A_78 : i32 to vector<1600x128xi32>
    %eq3A_80 = arith.cmpi eq, %iota3A_76, %eq3A_79 : vector<1600x128xi32>
    %eq3A_81 = arith.constant 0 : i32
    %eq3A_82 = arith.cmpi eq, %arg0, %eq3A_81 : i32
    %and3A_83 = vector.broadcast %eq3A_82 : i1 to vector<1600x128xi1>
    %and3A_84 = arith.andi %eq3A_80, %and3A_83 : vector<1600x128xi1>
    %lt3A = arith.constant 16 : i32
    %lt3A_85 = vector.broadcast %lt3A : i32 to vector<1600x128xi32>
    %lt3A_86 = arith.cmpi slt, %iota3A_77, %lt3A_85 : vector<1600x128xi32>
    %and3A_87 = arith.andi %and3A_84, %lt3A_86 : vector<1600x128xi1>
    %jit3A_88 = arith.constant 0.000000e+00 : f32
    %broadcast_in_dim3A_89 = vector.broadcast %jit3A_88 : f32 to vector<1600x128xf32>
    %select_n3A_90 = arith.select %and3A_87, %broadcast_in_dim3A_89, %dot_general3A_75 : vector<1600x128xi1>, vector<1600x128xf32>
    %swap3A = arith.constant 0 : index
    %swap3A_91 = arith.constant 0 : index
    %swap3A_92 = vector.load %arg4[%swap3A, %swap3A_91] : memref<1600x128xf32, #tpu.memory_space<vmem>>, vector<1600x128xf32>
    tpu.vector_store %arg4[%swap3A, %swap3A_91], %select_n3A_90 {strides = array<i32>} : memref<1600x128xf32, #tpu.memory_space<vmem>>, vector<1600x128xf32>,
    return
  }
  func.func @transform_0(%arg0: i32) -> (i32, i32) {
    %c0_i32 = arith.constant 0 : i32
    %c0_i32_0 = arith.constant 0 : i32
    return %arg0, %c0_i32 : i32, i32
  }
  func.func @transform_1(%arg0: i32) -> (i32, i32) {
    %c0_i32 = arith.constant 0 : i32
    %c0_i32_0 = arith.constant 0 : i32
    %c0_i32_1 = arith.constant 0 : i32
    return %c0_i32, %c0_i32_0 : i32, i32
  }
  func.func @transform_2(%arg0: i32) -> (i32, i32) {
    %c0_i32 = arith.constant 0 : i32
    %c0_i32_0 = arith.constant 0 : i32
    %c0_i32_1 = arith.constant 0 : i32
    return %c0_i32, %c0_i32_0 : i32, i32
  }
  func.func @transform_3(%arg0: i32) -> (i32, i32) {
    %c0_i32 = arith.constant 0 : i32
    %c0_i32_0 = arith.constant 0 : i32
    return %arg0, %c0_i32 : i32, i32
  }
}

module attributes {stable_mosaic.version = 14 : i64} {
  func.func @_finish_body(%arg0: memref<4096x16xf32, #tpu.memory_space<vmem>>, %arg1: memref<16x64xf32, #tpu.memory_space<vmem>>, %arg2: memref<1x64xf32, #tpu.memory_space<vmem>>, %arg3: memref<1x16xf32, #tpu.memory_space<vmem>>, %arg4: memref<4096x10xf32, #tpu.memory_space<vmem>>) attributes {dimension_semantics = [], scalar_prefetch = 0 : i64, scratch_operands = 0 : i64, tpu.core_type = #tpu.core_type<tc>} {
    %get3A = arith.constant 0 : index
    %get3A_0 = arith.constant 0 : index
    %get3A_1 = vector.load %arg2[%get3A, %get3A_0] : memref<1x64xf32, #tpu.memory_space<vmem>>, vector<1x64xf32>
    %get3A_2 = arith.constant 0 : index
    %get3A_3 = arith.constant 0 : index
    %get3A_4 = vector.load %arg1[%get3A_2, %get3A_3] : memref<16x64xf32, #tpu.memory_space<vmem>>, vector<16x64xf32>
    %dot_general3A = arith.constant dense<0.000000e+00> : vector<1x16xf32>
    %dot_general3A_5 = tpu.matmul %get3A_1, %get3A_4, %dot_general3A {dimension_numbers = #tpu.dot_dimension_numbers<[1], [1], [0], [0], [0, 0, 1, 0], [], []>, precision = #tpu.contract_precision<fp32>, transpose_lhs_hint = false} : vector<1x64xf32>, vector<16x64xf32>, vector<1x16xf32> -> vector<1x16xf32>
    %get3A_6 = arith.constant 0 : index
    %get3A_7 = arith.constant 0 : index
    %get3A_8 = vector.load %arg3[%get3A_6, %get3A_7] : memref<1x16xf32, #tpu.memory_space<vmem>>, vector<1x16xf32>
    %add3A = arith.addf %dot_general3A_5, %get3A_8 : vector<1x16xf32>
    %get3A_9 = arith.constant 0 : index
    %get3A_10 = arith.constant 0 : index
    %get3A_11 = vector.load %arg0[%get3A_9, %get3A_10] : memref<4096x16xf32, #tpu.memory_space<vmem>>, vector<4096x16xf32>
    %add3A_12 = vector.broadcast %add3A : vector<1x16xf32> to vector<4096x16xf32>
    %add3A_13 = arith.addf %get3A_11, %add3A_12 : vector<4096x16xf32>
    %slice3A = vector.extract_strided_slice %add3A_13 {offsets = [0, 0], sizes = [4096, 10], strides = [1, 1]} : vector<4096x16xf32> to vector<4096x10xf32>
    %reduce_max3A = arith.constant dense<0xFF800000> : vector<4096xf32>
    %reduce_max3A_14 = vector.multi_reduction <maximumf>, %slice3A, %reduce_max3A [1] : vector<4096x10xf32> to vector<4096xf32>
    %broadcast_in_dim3A = vector.shape_cast %reduce_max3A_14 : vector<4096xf32> to vector<4096x1xf32>
    %sub3A = vector.broadcast %broadcast_in_dim3A : vector<4096x1xf32> to vector<4096x10xf32>
    %sub3A_15 = arith.subf %slice3A, %sub3A : vector<4096x10xf32>
    %exp3A = math.exp %sub3A_15 : vector<4096x10xf32>
    %sub3A_16 = vector.broadcast %broadcast_in_dim3A : vector<4096x1xf32> to vector<4096x10xf32>
    %sub3A_17 = arith.subf %slice3A, %sub3A_16 : vector<4096x10xf32>
    %reduce_sum3A = arith.constant dense<0.000000e+00> : vector<4096xf32>
    %reduce_sum3A_18 = vector.multi_reduction <add>, %exp3A, %reduce_sum3A [1] : vector<4096x10xf32> to vector<4096xf32>
    %broadcast_in_dim3A_19 = vector.shape_cast %reduce_sum3A_18 : vector<4096xf32> to vector<4096x1xf32>
    %log3A = math.log %broadcast_in_dim3A_19 : vector<4096x1xf32>
    %sub3A_20 = vector.broadcast %log3A : vector<4096x1xf32> to vector<4096x10xf32>
    %sub3A_21 = arith.subf %sub3A_17, %sub3A_20 : vector<4096x10xf32>
    %swap3A = arith.constant 0 : index
    %swap3A_22 = arith.constant 0 : index
    %swap3A_23 = vector.load %arg4[%swap3A, %swap3A_22] : memref<4096x10xf32, #tpu.memory_space<vmem>>, vector<4096x10xf32>
    tpu.vector_store %arg4[%swap3A, %swap3A_22], %sub3A_21 {strides = array<i32>} : memref<4096x10xf32, #tpu.memory_space<vmem>>, vector<4096x10xf32>,
    return
  }
}

</mosaic_0001>

<sc_bundles>
// kernel: kernel.5.cloned.1.call-start
scs
__scs_entry_jumppad:
0x0: {  	(pc) =	sbr.rel $0x88, $3  }
0x1: {  	(tag) =	ssettag $0x0;
	lr =	simm.s32 $0x1  }
0x2: {  	[smem:$0x3F9B] =	sst lr;
	_ =	strace $0xD0000000  }
0x3: {  	_ = 	snop  }
0x4: {  	_ = 	snop  }
0x5: {  	_ = 	snop  }
0x6: {  	_ = 	snop  }
0x7: {  	_ = 	snop  }
__scs_overlays_trampoline_lowered:
0x8: {  	[smem:$0x3FAA] =	sst s0  }
0x9: {  	[smem:$0x3FAB] =	sst s1  }
0xa: {  	[smem:$0x3FAC] =	sst s2  }
0xb: {  	[smem:$0x3FAD] =	sst s3  }
0xc: {  	[smem:$0x3FAE] =	sst s4  }
0xd: {  	[smem:$0x3FAF] =	sst s5  }
0xe: {  	[smem:$0x3FB0] =	sst s6  }
0xf: {  	[smem:$0x3FB1] =	sst s7  }
0x10: {  	[smem:$0x3FB2] =	sst s8  }
0x11: {  	[smem:$0x3FB3] =	sst s9;
	s0 =	simm.s32 @!p0 $0x0  }
0x12: {  	s1 =	sld [smem:$0x3F99];
	s0 =	simm.s32 @p0 $0x1  }
0x13: {  	[smem:$0x3FB4] =	sst s0;
	s0 =	simm.s32 @!p1 $0x0  }
0x14: {  	s2 =	sld [smem:$0x3F98];
	s0 =	simm.s32 @p1 $0x1  }
0x15: {  	[smem:$0x3FB5] =	sst s0;
	s0 =	simm.s32 @!p2 $0x0  }
0x16: {  	s3 =	sld [smem:$0x3FDB];
	s0 =	simm.s32 @p2 $0x1  }
0x17: {  	s4 =	simm.s32 $0x1BF5;
	[smem:$0x3FB7] =	sst s0  }
0x18: {  	s0 =	sld [smem:$0x3F9A];
	_ =	swait.ge [sflag:s4], $0x0  }
0x19: {  	s7 =	sld [smem:$0x3F9B]  }
0x1a: {  	s8 =	sadd.s32 $0xFFFFE003, lr  }
0x1b: {  	s9 =	sadd.s32 $0xFFFFFEF7, lr;
	s5 =	simm.s32 $0xFFFFFFFF;
	p2 =	slt.u32 s8, $0xFFFFF086  }
0x1c: {  	p1 =	slt.u32 s9, $0xF7A;
	s5 =	simm.s32 @!p2 $0x0  }
0x1d: {  	s5 =	simm.s32 @p1 $0x1;
	p0 =	seq.s32 s7, s2  }
0x1e: {  	s7 =	smul.u32 @!p0 $0xF7A, s2;
	p2 =	seq.s32 @!p0 s5, $0x0  }
0x1f: {  	s9 =	smul.u32 $0xF7A, s1;
	s8 =	simm.s32 @!p0 $0x1BF5;
	p2 =	por !p2, p0  }
0x20: {  	[sflag:s8] =	ssyncset.s32 @!p0 $0xFFFFF086;
	s6 =	sadd.s32 @!p0 s3, s7;
	s7 =	simm.s32 @!p0 $0x108  }
0x21: {  	s3 =	sadd.s32 s3, s9;
	s6 =	sadd.s32 @!p0 $0x88, s6;
	s7 =	simm.s32 @p2 $0x1082  }
0x22: {  	[simem:s7], [sflag:s8] =	dma.local @!p0 [hbm:s6], $0xF7A  }
0x23: {  	s9 =	sor.u32 $0xD0000000, s2;
	s6 =	simm.s32 $0x108;
	_ =	swait.ge @!p0 [sflag:s8], $0x0  }
0x24: {  	s3 =	sadd.s32 $0x88, s3;
	s6 =	simm.s32 @!p1 $0x1082;
	[sflag:s4] =	ssyncset.s32 $0xFFFFF086  }
0x25: {  	[simem:s6], [sflag:s4] =	dma.local [hbm:s3], $0xF7A  }
0x26: {  	[smem:$0x3F9B] =	sst s1;
	(tag) =	ssettag s2;
	_ =	strace s9  }
0x27: {  	s1 =	sld [smem:$0x3FAB]  }
0x28: {  	s2 =	sld [smem:$0x3FAC]  }
0x29: {  	s4 =	sld [smem:$0x3FAE]  }
0x2a: {  	p0 =	seq.s32 s5, $0x0;
	s5 =	sld [smem:$0x3FAF]  }
0x2b: {  	s6 =	sld [smem:$0x3FB0]  }
0x2c: {  	s7 =	sld [smem:$0x3FB1]  }
0x2d: {  	s3 =	simm.s32 $0x108;
	s8 =	sld [smem:$0x3FB2]  }
0x2e: {  	s3 =	simm.s32 @!p0 $0x1082;
	s9 =	sld [smem:$0x3FB3]  }
0x2f: {  	lr =	sadd.s32 s0, s3;
	s0 =	sld [smem:$0x3FAA]  }
0x30: {  	s3 =	sld [smem:$0x3FAD]  }
0x31: {  	[smem:$0x3FB6] =	sst s10  }
0x32: {  	s10 =	sld [smem:$0x3FB4];
	_ =	sdelay $0x3  }
0x33: {  	p0 =	seq.s32 s10, $0x1;
	s10 =	sld [smem:$0x3FB6];
	_ =	sdelay $0x3  }
0x34: {  	[smem:$0x3FB6] =	sst s10  }
0x35: {  	s10 =	sld [smem:$0x3FB5];
	_ =	sdelay $0x3  }
0x36: {  	p1 =	seq.s32 s10, $0x1;
	s10 =	sld [smem:$0x3FB6];
	_ =	sdelay $0x3  }
0x37: {  	[smem:$0x3FB6] =	sst s10  }
0x38: {  	s10 =	sld [smem:$0x3FB7]  }
0x39: {  	_ = 	snop;
	(pc) =	sbr.ind lr, $3  }
0x3a: {  	_ = 	snop  }
0x3b: {  	_ = 	snop  }
0x3c: {  	p2 =	seq.s32 s10, $0x1;
	s10 =	sld [smem:$0x3FB6]  }
0x3d: {  	_ =	shalt  }
0x3e: {  	_ =	shalt  }
0x3f: {  	_ =	shalt  }
0x40: {  	_ =	shalt  }
0x41: {  	_ =	shalt  }
0x42: {  	_ =	shalt  }
0x43: {  	_ =	shalt  }
0x44: {  	_ =	shalt  }
0x45: {  	_ =	shalt  }
0x46: {  	_ =	shalt  }
0x47: {  	_ =	shalt  }
0x48: {  	_ =	shalt  }
0x49: {  	_ =	shalt  }
0x4a: {  	_ =	shalt  }
0x4b: {  	_ =	shalt  }
0x4c: {  	_ =	shalt  }
0x4d: {  	_ =	shalt  }
0x4e: {  	_ =	shalt  }
0x4f: {  	_ =	shalt  }
0x50: {  	_ =	shalt  }
0x51: {  	_ =	shalt  }
0x52: {  	_ =	shalt  }
0x53: {  	_ =	shalt  }
0x54: {  	_ =	shalt  }
0x55: {  	_ =	shalt  }
0x56: {  	_ =	shalt  }
0x57: {  	_ =	shalt  }
0x58: {  	_ =	shalt  }
0x59: {  	_ =	shalt  }
0x5a: {  	_ =	shalt  }
0x5b: {  	_ =	shalt  }
0x5c: {  	_ =	shalt  }
0x5d: {  	_ =	shalt  }
0x5e: {  	_ =	shalt  }
0x5f: {  	_ =	shalt  }
0x60: {  	_ =	shalt  }
0x61: {  	_ =	shalt  }
0x62: {  	_ =	shalt  }
0x63: {  	_ =	shalt  }
0x64: {  	_ =	shalt  }
0x65: {  	_ =	shalt  }
0x66: {  	_ =	shalt  }
0x67: {  	_ =	shalt  }
0x68: {  	_ =	shalt  }
0x69: {  	_ =	shalt  }
0x6a: {  	_ =	shalt  }
0x6b: {  	_ =	shalt  }
0x6c: {  	_ =	shalt  }
0x6d: {  	_ =	shalt  }
0x6e: {  	_ =	shalt  }
0x6f: {  	_ =	shalt  }
0x70: {  	_ =	shalt  }
0x71: {  	_ =	shalt  }
0x72: {  	_ =	shalt  }
0x73: {  	_ =	shalt  }
0x74: {  	_ =	shalt  }
0x75: {  	_ =	shalt  }
0x76: {  	_ =	shalt  }
0x77: {  	_ =	shalt  }
0x78: {  	_ =	shalt  }
0x79: {  	_ =	shalt  }
0x7a: {  	_ =	shalt  }
0x7b: {  	_ =	shalt  }
0x7c: {  	_ =	shalt  }
0x7d: {  	_ =	shalt  }
0x7e: {  	_ =	shalt  }
0x7f: {  	_ =	shalt  }
0x80: {  	_ =	shalt  }
0x81: {  	_ =	shalt  }
0x82: {  	_ =	shalt  }
0x83: {  	_ =	shalt  }
0x84: {  	_ =	shalt  }
0x85: {  	_ =	shalt  }
0x86: {  	_ =	shalt  }
0x87: {  	_ =	shalt  }
.Lfunc_end0:
.L_simem_size_0:
called_computation_lowered:
.L_overlay_start_0:
0x88: {  	s2 =	sld [smem:$0x3FD9]  }
0x89: {  	s3 =	sld [smem:$0x3FFE];
	_ =	sdelay $0x1  }
0x8a: {  	s1 =	srdreg.scid  }
0x8b: {  	s0 =	sand.u32 $0x1, s1  }
0x8c: {  	s17 =	sshll.u32 s0, $0xA;
	s2 =	sadd.s32 s3, s2  }
0x8d: {  	s2 =	sadd.s32 s2, s17  }
0x8e: {  	[smem:$0x3FC2] =	sst s2  }
0x8f: {  	_ = 	snop  }
0x90: {  	s2 =	sld [smem:$0x3FD0];
	(tm) =	ssettm $0x1  }
0x91: {  	s18 =	sld [smem:$0x3FFB];
	_ =	sdelay $0x3  }
0x92: {  	_ =	strace s18  }
0x93: {  	s3 =	sld [smem:$0x3FFC];
	_ =	sdelay $0x3  }
0x94: {  	_ =	strace s3  }
0x95: {  	s3 =	sld [smem:$0x3FFD];
	_ =	sdelay $0x3  }
0x96: {  	_ =	strace s3  }
0x97: {  	_ =	strace $0x8FFFFFFF  }
0x98: {  	s19 =	sld [smem:$0x3FDB];
	_ =	sdelay $0x1  }
0x99: {  	s4 =	simm.s32 $_scs_section_size  }
0x9a: {  	s5 =	simm.s32 $_size__tile_overlayer_lowered;
	s6 =	simm.s32 $_tile_overlayer_lowered  }
0x9b: {  	s22 =	simm.s32 $0x1BFF;
	s21 =	sshll.u32 s6, $0x1;
	s3 =	sadd.s32 s4, s19  }
0x9c: {  	s7 =	simm.s32 $0x0;
	s20 =	sshll.u32 s5, $0x1;
	s5 =	sadd.s32 s21, s3  }
0x9d: {  	[timem:s7], [sflag:s22] =	dma.local [hbm:s5], s20  }
0x9e: {  	_ =	swait.ge [sflag:s22], s20  }
0x9f: {  	s4 =	ssub.s32 $0x0, s20;
	[sflag:s22] =	ssyncset.done $0x0  }
0xa0: {  	[sflag:s22] =	ssyncadd.s32 s4;
	_ =	sdelay $0x1  }
0xa1: {  	s23 =	simm.s32 $0x1B8B  }
0xa2: {  	_ =	swait.ge [sflag:s23], $0x1  }
0xa3: {  	[sflag:s23] =	ssyncset.done $0x0  }
0xa4: {  	s25 =	simm.s32 $0x1B8E;
	s24 =	sld [smem:$0x3FFE];
	[sflag:s23] =	ssyncadd.s32 $0xFFFFFFFF  }
0xa5: {  	s26 =	simm.s32 $execute0_lowered;
	[smem:$0x3FD2] =	sst s25  }
0xa6: {  	s5 =	sshll.u32 s26, $0x1;
	_ =	strace $0x80000046;
	[dreg:$0x1] =	wrdreg $0xFFFFFFFF  }
0xa7: {  	s28 =	simm.s32 $_size_execute0_lowered;
	s3 =	sadd.s32 s3, s5;
	[dreg:$0x0] =	wrdreg $0x0  }
0xa8: {  	s5 =	sshll.u32 s28, $0x1;
	[dreg:$0x2] =	wrdreg s3  }
0xa9: {  	[dreg:$0x3] =	wrdreg s5  }
0xaa: {  	[dreg:$0x4] =	wrdreg $0xC0  }
0xab: {  	_ =	task [dreg:s7], $0x5FFFF  }
0xac: {  	[dreg:$0x1] =	wrdreg $0xFFFFFFFF  }
0xad: {  	[dreg:$0x0] =	wrdreg $0x60  }
0xae: {  	[dreg:$0x2] =	wrdreg s24  }
0xaf: {  	[dreg:$0x3] =	wrdreg s2  }
0xb0: {  	[dreg:$0x4] =	wrdreg $0x9  }
0xb1: {  	_ =	task.clear_ibuf [dreg:s7], $0x5FFFF;
	_ =	strace $0x90000046  }
0xb2: {  	s29 =	simm.s32 $0x9;
	_ =	strace $0x80000048  }
0xb3: {  	_ =	swait.ge [sflag:s29], $0x1  }
0xb4: {  	[sflag:s29] =	ssyncadd.s32 $0xFFFFFFFF  }
0xb5: {  	_ =	strace $0x90000048  }
0xb6: {  	_ =	sfence  }
0xb7: {  	s30 =	sld [smem:$0x0];
	_ =	sdelay $0x2  }
0xb8: {  	s31 =	sshll.u32 s1, $0xD;
	s1 =	sshrl.u32 s1, $0x2  }
0xb9: {  	s3 =	sand.u32 $0x4000, s31;
	s1 =	sadd.s32 s1, s30  }
0xba: {  	s0 =	sor.u32 s3, s0;
	s1 =	sshll.u32 s1, $0x11  }
0xbb: {  	s0 =	sor.u32 s1, s0  }
0xbc: {  	s0 =	sadd.s32 $0x8F2B, s0  }
0xbd: {  	[sflag:s0] =	ssyncadd.remote.s32 $0x1  }
0xbe: {  	_ =	sfence.sel $0xFFFF  }
0xbf: {  	[dreg:$0x0] =	wrdreg $0xFFFFFFFF;
	(pc) =	sbr.abs _section_cstart, $3  }
0xc0: {  	[dreg:$0x1] =	wrdreg $0xFFFFFFFF  }
0xc1: {  	_ =	task.clear_ibuf [dreg:s7], $0x2FFFF;
	_ =	strace $0x9FFFFFFF  }
0xc2: {  	(tm) =	ssettm $0x7FFFFFFF  }
0xc3: {  	_ =	shalt  }
tec
execute0_lowered:
.L_overlay_start_1:
0x0: {  	(tag) =	ssettag $0x1  }
0x1: {  	s0 =	srdreg.scid;
	s1 =	rddreg [dreg:$0x0]  }
0x2: {  	s2 =	stileid.u32;
	s5 =	rddreg [dreg:$0x1]  }
0x3: {  	s8 =	simm.s32 $0x80;
	s9 =	simm.s32 $0x6400;
	s10 =	simm.s32 $0x48  }
0x4: {  	s11 =	simm.s32 $0x6C00;
	s13 =	simm.s32 $0x7080;
	s15 =	simm.s32 $0x7880  }
0x5: {  	s28 =	simm.s32 $0x9E00;
	s29 =	simm.s32 $0x3E8;
	s30 =	simm.s32 $0xA280  }
0x6: {  	s31 =	simm.s32 $0x468;
	s12 =	simm.s32 $0x2;
	s14 =	simm.s32 $0x3  }
0x7: {  	s16 =	simm.s32 $0x4;
	s17 =	simm.s32 $0x5;
	s18 =	simm.s32 $0x6  }
0x8: {  	s19 =	simm.s32 $0xAF00;
	s0 =	sand.u32 $0x1, s0;
	s2 =	sshll.u32 s2, $0x1  }
0x9: {  	s20 =	simm.s32 $0x0;
	s4 =	sor.u32 s0, s2;
	s2 =	simm.s32 $0x0  }
0xa: {  	s0 =	ssub.s32 $0x2, s0;
	s3 =	smul.u32 $0xC80, s4;
	[smem:$0x7FF] =	sst s2  }
0xb: {  	s7 =	sshrl.u32 s0, $0x1;
	s26 =	sshll.u32 s4, $0x8;
	_ =	strace $0x80000047  }
0xc: {  	s0 =	ssub.s32 s0, s7;
	s5 =	sadd.s32 s5, s26;
	s7 =	simm.s32 $0x7  }
0xd: {  	s6 =	sadd.s32 s3, s1;
	s3 =	sadd.s32 $0x1000, s1;
	s1 =	simm.s32 $0xAA80  }
0xe: {  	s4 =	sadd.s32 $0x187A00, s6;
	s6 =	smax.u32 s0, $0x1;
	s0 =	simm.s32 $0x1  }
.LBB2_1:
0xf: {  	[tilespmem:s2], [sflag:$0x7] =	stream.linear.gather [hbm4b:s4+s2], $0x6400, $0x38;
	[tilespmem:$0xB700] =	vst v63  }
0x10: {  	_ =	swait.ge [sflag:s7], $0x6400  }
0x11: {  	[sflag:s7] =	ssyncset.done $0x0  }
0x12: {  	[sflag:s7] =	ssyncadd.s32 $0xFFFF9C00  }
0x13: {  	[tilespmem:s9], [sflag:$0x1] =	stream.indirect.gather [hbm4b:s3+s8], $0x10, s2, s8, $0xb8;
	[tilespmem:$0xB700] =	vst v63  }
0x14: {  	_ = 	snop  }
0x15: {  	[tilespmem:s11], [sflag:$0x1] =	stream.indirect.gather [hbm4b:s3+s10], $0x10, s8, s10, $0xb8;
	[tilespmem:$0xB700] =	vst v63  }
0x16: {  	s21 =	simm.s32 $0xC8  }
0x17: {  	[tilespmem:s13], [sflag:$0x2] =	stream.indirect.gather [hbm4b:s3+s8], $0x10, s21, s8, $0xb8;
	[tilespmem:$0xB700] =	vst v63  }
0x18: {  	s25 =	simm.s32 $0x148  }
0x19: {  	[tilespmem:s15], [sflag:$0x2] =	stream.indirect.gather [hbm4b:s3+s10], $0x10, s25, s10, $0xb8;
	[tilespmem:$0xB700] =	vst v63  }
0x1a: {  	s26 =	simm.s32 $0x190;
	s22 =	simm.s32 $0x7D00  }
0x1b: {  	[tilespmem:s22], [sflag:$0x3] =	stream.indirect.gather [hbm4b:s3+s8], $0x10, s26, s8, $0xb8;
	[tilespmem:$0xB700] =	vst v63  }
0x1c: {  	s23 =	simm.s32 $0x210;
	s24 =	simm.s32 $0x8500  }
0x1d: {  	[tilespmem:s24], [sflag:$0x3] =	stream.indirect.gather [hbm4b:s3+s10], $0x10, s23, s10, $0xb8;
	[tilespmem:$0xB700] =	vst v63  }
0x1e: {  	s25 =	simm.s32 $0x258;
	s26 =	simm.s32 $0x8980  }
0x1f: {  	[tilespmem:s26], [sflag:$0x4] =	stream.indirect.gather [hbm4b:s3+s8], $0x10, s25, s8, $0xb8;
	[tilespmem:$0xB700] =	vst v63  }
0x20: {  	s22 =	simm.s32 $0x2D8;
	s23 =	simm.s32 $0x9180  }
0x21: {  	[tilespmem:s23], [sflag:$0x4] =	stream.indirect.gather [hbm4b:s3+s10], $0x10, s22, s10, $0xb8;
	[tilespmem:$0xB700] =	vst v63  }
0x22: {  	s24 =	simm.s32 $0x320;
	s25 =	simm.s32 $0x9600  }
0x23: {  	[tilespmem:s25], [sflag:$0x5] =	stream.indirect.gather [hbm4b:s3+s8], $0x10, s24, s8, $0xb8;
	[tilespmem:$0xB700] =	vst v63  }
0x24: {  	s26 =	simm.s32 $0x3A0  }
0x25: {  	[tilespmem:s28], [sflag:$0x5] =	stream.indirect.gather [hbm4b:s3+s10], $0x10, s26, s10, $0xb8;
	[tilespmem:$0xB700] =	vst v63  }
0x26: {  	_ = 	snop  }
0x27: {  	[tilespmem:s30], [sflag:$0x6] =	stream.indirect.gather [hbm4b:s3+s8], $0x10, s29, s8, $0xb8;
	[tilespmem:$0xB700] =	vst v63  }
0x28: {  	s21 =	simm.s32 $0x0  }
0x29: {  	[tilespmem:s1], [sflag:$0x6] =	stream.indirect.gather [hbm4b:s3+s10], $0x10, s31, s10, $0xb8;
	[tilespmem:$0xB700] =	vst v63  }
.LBB2_2:
0x2a: {  	_ =	swait.ge [sflag:s0], $0x800  }
0x2b: {  	[sflag:s0] =	ssyncset.done $0x0  }
0x2c: {  	[sflag:s0] =	ssyncadd.s32 $0xFFFFF800  }
0x2d: {  	_ =	swait.ge [sflag:s0], $0x480  }
0x2e: {  	[sflag:s0] =	ssyncset.done $0x0  }
0x2f: {  	s24 =	simm.s32 $0x0;
	[sflag:s0] =	ssyncadd.s32 $0xFFFFFB80  }
0x30: {  	v0 =	vld [tilespmem:s24+$0x6470]  }
0x31: {  	v1 =	vld [tilespmem:s24+$0x6400]  }
0x32: {  	v3 =	vld [tilespmem:s24+$0x6410]  }
0x33: {  	v12 =	vld [tilespmem:s24+$0x6420]  }
0x34: {  	v11 =	vld [tilespmem:s24+$0x6430]  }
0x35: {  	v2 =	vimm.f32 $0.0e+00;
	v8 =	vimm.f32 $0.0e+00;
	v4 =	vld [tilespmem:s24+$0x6440]  }
0x36: {  	v9 =	vimm.f32 $0.0e+00;
	v5 =	vld [tilespmem:s24+$0x6450];
	v0 =	vadd.f32 v0, v2;
	v7 =	vadd.f32 v1, v2  }
0x37: {  	s22 =	simm.s32 $0x80;
	s23 =	simm.s32 $0x400;
	v6 =	vld [tilespmem:s24+$0x6460];
	v10 =	vadd.f32 v3, v2;
	v3 =	vimm.f32 $0.0e+00;
	v1 =	vimm.f32 $0.0e+00  }
.LBB2_3:
0x38: {  	p0 =	sne.s32 s23, $0x3000;
	v13 =	vld [tilespmem:s22+$0x6470];
	v2 =	vadd.f32 v12, v2  }
0x39: {  	v14 =	vld [tilespmem:s22+$0x6400];
	v8 =	vadd.f32 v11, v8  }
0x3a: {  	v15 =	vld [tilespmem:s22+$0x6410];
	v9 =	vadd.f32 v4, v9  }
.Ltmp0:
0x3b: {  	v12 =	vld [tilespmem:s22+$0x6420];
	v3 =	vadd.f32 v5, v3;
	(pc) =	sbr.rel @p0 .LBB2_3-.Ltmp0, $4  }
0x3c: {  	v11 =	vld [tilespmem:s22+$0x6430];
	v1 =	vadd.f32 v6, v1  }
0x3d: {  	v4 =	vld [tilespmem:s22+$0x6440];
	v0 =	vadd.f32 v13, v0  }
0x3e: {  	v7 =	vadd.f32 v14, v7;
	v5 =	vld [tilespmem:s22+$0x6450]  }
0x3f: {  	v10 =	vadd.f32 v15, v10;
	v6 =	vld [tilespmem:s22+$0x6460];
	s22 =	sshra.s32 s23, $0x2;
	s23 =	sadd.s32 $0x200, s23  }
0x40: {  	v13 =	vld [tilespmem:s22+$0x6400]  }
0x41: {  	v14 =	vld [tilespmem:s22+$0x6410];
	_ =	sdelay $0x1  }
0x42: {  	v15 =	vld [tilespmem:s22+$0x6420];
	_ =	sdelay $0x1  }
0x43: {  	v2 =	vadd.f32 v12, v2;
	v12 =	vld [tilespmem:s22+$0x6430]  }
0x44: {  	v7 =	vadd.f32 v13, v7;
	v10 =	vadd.f32 v14, v10  }
0x45: {  	v8 =	vadd.f32 v11, v8;
	v11 =	vld [tilespmem:s22+$0x6440]  }
0x46: {  	v2 =	vadd.f32 v15, v2;
	v7 =	vadd.f32 v10, v7  }
0x47: {  	v4 =	vadd.f32 v4, v9;
	v9 =	vld [tilespmem:s22+$0x6450]  }
0x48: {  	v8 =	vadd.f32 v12, v8;
	v2 =	vadd.f32 v2, v7  }
0x49: {  	v3 =	vadd.f32 v5, v3;
	v5 =	vld [tilespmem:s22+$0x6460]  }
0x4a: {  	v4 =	vadd.f32 v11, v4;
	v2 =	vadd.f32 v8, v2  }
0x4b: {  	v1 =	vadd.f32 v6, v1;
	v7 =	vld [tilespmem:s22+$0x6470]  }
0x4c: {  	v3 =	vadd.f32 v9, v3;
	v2 =	vadd.f32 v4, v2;
	_ =	sdelay $0x1  }
0x4d: {  	v1 =	vadd.f32 v5, v1;
	v2 =	vadd.f32 v3, v2;
	_ =	sdelay $0x1  }
0x4e: {  	s25 =	smul.u32 $0x180, s21;
	v0 =	vadd.f32 v7, v0;
	v1 =	vadd.f32 v1, v2  }
0x4f: {  	s24 =	smul.u32 $0x12C0, s21  }
0x50: {  	v0 =	vadd.f32 v0, v1  }
0x51: {  	s23 =	sshra.s32 s25, $0x2;
	s22 =	sshra.s32 s24, $0x2  }
0x52: {  	s24 =	sadd.s32 $0x4B0, s22;
	[tilespmem:s23+$0xAF00] =	vst v0  }
0x53: {  	[tilespmem:s9], [sflag:$0x1] =	stream.indirect.gather [hbm4b:s3+s8], $0x10, s24, s8, $0xb8;
	[tilespmem:$0xB700] =	vst v63  }
0x54: {  	s26 =	sadd.s32 $0x530, s22  }
0x55: {  	[tilespmem:s11], [sflag:$0x1] =	stream.indirect.gather [hbm4b:s3+s10], $0x10, s26, s10, $0xb8;
	[tilespmem:$0xB700] =	vst v63  }
0x56: {  	_ =	swait.ge [sflag:s12], $0x800  }
0x57: {  	[sflag:s12] =	ssyncset.done $0x0  }
0x58: {  	[sflag:s12] =	ssyncadd.s32 $0xFFFFF800  }
0x59: {  	_ =	swait.ge [sflag:s12], $0x480  }
0x5a: {  	[sflag:s12] =	ssyncset.done $0x0  }
0x5b: {  	s26 =	simm.s32 $0x0;
	[sflag:s12] =	ssyncadd.s32 $0xFFFFFB80  }
0x5c: {  	v0 =	vld [tilespmem:s26+$0x70F0]  }
0x5d: {  	v1 =	vld [tilespmem:s26+$0x7080]  }
0x5e: {  	v3 =	vld [tilespmem:s26+$0x7090]  }
0x5f: {  	v12 =	vld [tilespmem:s26+$0x70A0]  }
0x60: {  	v11 =	vld [tilespmem:s26+$0x70B0]  }
0x61: {  	v9 =	vimm.f32 $0.0e+00;
	v2 =	vimm.f32 $0.0e+00;
	v4 =	vld [tilespmem:s26+$0x70C0]  }
0x62: {  	v8 =	vimm.f32 $0.0e+00;
	v5 =	vld [tilespmem:s26+$0x70D0];
	v0 =	vadd.f32 v0, v2;
	v7 =	vadd.f32 v1, v2  }
0x63: {  	s25 =	simm.s32 $0x400;
	s24 =	simm.s32 $0x80;
	v6 =	vld [tilespmem:s26+$0x70E0];
	v10 =	vadd.f32 v3, v2;
	v3 =	vimm.f32 $0.0e+00;
	v1 =	vimm.f32 $0.0e+00  }
.LBB2_5:
0x64: {  	p0 =	sne.s32 s25, $0x3000;
	v13 =	vld [tilespmem:s24+$0x70F0];
	v2 =	vadd.f32 v12, v2  }
0x65: {  	v14 =	vld [tilespmem:s24+$0x7080];
	v8 =	vadd.f32 v11, v8  }
0x66: {  	v15 =	vld [tilespmem:s24+$0x7090];
	v9 =	vadd.f32 v4, v9  }
.Ltmp1:
0x67: {  	v12 =	vld [tilespmem:s24+$0x70A0];
	v3 =	vadd.f32 v5, v3;
	(pc) =	sbr.rel @p0 .LBB2_5-.Ltmp1, $4  }
0x68: {  	v11 =	vld [tilespmem:s24+$0x70B0];
	v1 =	vadd.f32 v6, v1  }
0x69: {  	v4 =	vld [tilespmem:s24+$0x70C0];
	v0 =	vadd.f32 v13, v0  }
0x6a: {  	v7 =	vadd.f32 v14, v7;
	v5 =	vld [tilespmem:s24+$0x70D0]  }
0x6b: {  	v10 =	vadd.f32 v15, v10;
	v6 =	vld [tilespmem:s24+$0x70E0];
	s24 =	sshra.s32 s25, $0x2;
	s25 =	sadd.s32 $0x200, s25  }
0x6c: {  	v13 =	vld [tilespmem:s24+$0x7080]  }
0x6d: {  	v14 =	vld [tilespmem:s24+$0x7090];
	_ =	sdelay $0x1  }
0x6e: {  	v15 =	vld [tilespmem:s24+$0x70A0];
	_ =	sdelay $0x1  }
0x6f: {  	v2 =	vadd.f32 v12, v2;
	v12 =	vld [tilespmem:s24+$0x70B0]  }
0x70: {  	v7 =	vadd.f32 v13, v7;
	v10 =	vadd.f32 v14, v10  }
0x71: {  	v8 =	vadd.f32 v11, v8;
	v11 =	vld [tilespmem:s24+$0x70C0]  }
0x72: {  	v2 =	vadd.f32 v15, v2;
	v7 =	vadd.f32 v10, v7  }
0x73: {  	v4 =	vadd.f32 v4, v9;
	v9 =	vld [tilespmem:s24+$0x70D0]  }
0x74: {  	v8 =	vadd.f32 v12, v8;
	v2 =	vadd.f32 v2, v7  }
0x75: {  	v3 =	vadd.f32 v5, v3;
	v5 =	vld [tilespmem:s24+$0x70E0]  }
0x76: {  	v4 =	vadd.f32 v11, v4;
	v2 =	vadd.f32 v8, v2  }
0x77: {  	v1 =	vadd.f32 v6, v1;
	v7 =	vld [tilespmem:s24+$0x70F0]  }
0x78: {  	v3 =	vadd.f32 v9, v3;
	v2 =	vadd.f32 v4, v2;
	_ =	sdelay $0x1  }
0x79: {  	v1 =	vadd.f32 v5, v1;
	v2 =	vadd.f32 v3, v2;
	_ =	sdelay $0x1  }
0x7a: {  	v0 =	vadd.f32 v7, v0;
	v1 =	vadd.f32 v1, v2;
	_ =	sdelay $0x1  }
0x7b: {  	v0 =	vadd.f32 v0, v1;
	_ =	sdelay $0x1  }
0x7c: {  	s25 =	sadd.s32 $0x578, s22;
	[tilespmem:s23+$0xAF10] =	vst v0  }
0x7d: {  	[tilespmem:s13], [sflag:$0x2] =	stream.indirect.gather [hbm4b:s3+s8], $0x10, s25, s8, $0xb8;
	[tilespmem:$0xB700] =	vst v63  }
0x7e: {  	s26 =	sadd.s32 $0x5F8, s22  }
0x7f: {  	[tilespmem:s15], [sflag:$0x2] =	stream.indirect.gather [hbm4b:s3+s10], $0x10, s26, s10, $0xb8;
	[tilespmem:$0xB700] =	vst v63  }
0x80: {  	_ =	swait.ge [sflag:s14], $0x800  }
0x81: {  	[sflag:s14] =	ssyncset.done $0x0  }
0x82: {  	[sflag:s14] =	ssyncadd.s32 $0xFFFFF800  }
0x83: {  	_ =	swait.ge [sflag:s14], $0x480  }
0x84: {  	[sflag:s14] =	ssyncset.done $0x0  }
0x85: {  	s26 =	simm.s32 $0x0;
	[sflag:s14] =	ssyncadd.s32 $0xFFFFFB80  }
0x86: {  	v0 =	vld [tilespmem:s26+$0x7D70]  }
0x87: {  	v1 =	vld [tilespmem:s26+$0x7D00]  }
0x88: {  	v3 =	vld [tilespmem:s26+$0x7D10]  }
0x89: {  	v12 =	vld [tilespmem:s26+$0x7D20]  }
0x8a: {  	v11 =	vld [tilespmem:s26+$0x7D30]  }
0x8b: {  	v9 =	vimm.f32 $0.0e+00;
	v2 =	vimm.f32 $0.0e+00;
	v4 =	vld [tilespmem:s26+$0x7D40]  }
0x8c: {  	v8 =	vimm.f32 $0.0e+00;
	v5 =	vld [tilespmem:s26+$0x7D50];
	v0 =	vadd.f32 v0, v2;
	v7 =	vadd.f32 v1, v2  }
0x8d: {  	s24 =	simm.s32 $0x80;
	s25 =	simm.s32 $0x400;
	v6 =	vld [tilespmem:s26+$0x7D60];
	v10 =	vadd.f32 v3, v2;
	v3 =	vimm.f32 $0.0e+00;
	v1 =	vimm.f32 $0.0e+00  }
.LBB2_7:
0x8e: {  	p0 =	sne.s32 s25, $0x3000;
	v13 =	vld [tilespmem:s24+$0x7D70];
	v2 =	vadd.f32 v12, v2  }
0x8f: {  	v14 =	vld [tilespmem:s24+$0x7D00];
	v8 =	vadd.f32 v11, v8  }
0x90: {  	v15 =	vld [tilespmem:s24+$0x7D10];
	v9 =	vadd.f32 v4, v9  }
.Ltmp2:
0x91: {  	v12 =	vld [tilespmem:s24+$0x7D20];
	v3 =	vadd.f32 v5, v3;
	(pc) =	sbr.rel @p0 .LBB2_7-.Ltmp2, $4  }
0x92: {  	v11 =	vld [tilespmem:s24+$0x7D30];
	v1 =	vadd.f32 v6, v1  }
0x93: {  	v4 =	vld [tilespmem:s24+$0x7D40];
	v0 =	vadd.f32 v13, v0  }
0x94: {  	v7 =	vadd.f32 v14, v7;
	v5 =	vld [tilespmem:s24+$0x7D50]  }
0x95: {  	v10 =	vadd.f32 v15, v10;
	v6 =	vld [tilespmem:s24+$0x7D60];
	s24 =	sshra.s32 s25, $0x2;
	s25 =	sadd.s32 $0x200, s25  }
0x96: {  	v13 =	vld [tilespmem:s24+$0x7D00]  }
0x97: {  	v14 =	vld [tilespmem:s24+$0x7D10];
	_ =	sdelay $0x1  }
0x98: {  	v15 =	vld [tilespmem:s24+$0x7D20];
	_ =	sdelay $0x1  }
0x99: {  	v2 =	vadd.f32 v12, v2;
	v12 =	vld [tilespmem:s24+$0x7D30]  }
0x9a: {  	v7 =	vadd.f32 v13, v7;
	v10 =	vadd.f32 v14, v10  }
0x9b: {  	v8 =	vadd.f32 v11, v8;
	v11 =	vld [tilespmem:s24+$0x7D40]  }
0x9c: {  	v2 =	vadd.f32 v15, v2;
	v7 =	vadd.f32 v10, v7  }
0x9d: {  	v4 =	vadd.f32 v4, v9;
	v9 =	vld [tilespmem:s24+$0x7D50]  }
0x9e: {  	v8 =	vadd.f32 v12, v8;
	v2 =	vadd.f32 v2, v7  }
0x9f: {  	v3 =	vadd.f32 v5, v3;
	v5 =	vld [tilespmem:s24+$0x7D60]  }
0xa0: {  	v4 =	vadd.f32 v11, v4;
	v2 =	vadd.f32 v8, v2  }
0xa1: {  	v1 =	vadd.f32 v6, v1;
	v7 =	vld [tilespmem:s24+$0x7D70]  }
0xa2: {  	v3 =	vadd.f32 v9, v3;
	v2 =	vadd.f32 v4, v2;
	_ =	sdelay $0x1  }
0xa3: {  	v1 =	vadd.f32 v5, v1;
	v2 =	vadd.f32 v3, v2;
	_ =	sdelay $0x1  }
0xa4: {  	v0 =	vadd.f32 v7, v0;
	v1 =	vadd.f32 v1, v2;
	_ =	sdelay $0x1  }
0xa5: {  	v0 =	vadd.f32 v0, v1  }
0xa6: {  	p0 =	seq.s32 s21, $0x14  }
0xa7: {  	s25 =	simm.s32 @!p0 $0x80;
	s26 =	simm.s32 @!p0 $0x7D00;
	s24 =	sadd.s32 @!p0 $0x640, s22;
	[tilespmem:s23+$0xAF20] =	vst v0  }
0xa8: {  	[tilespmem:s26], [sflag:$0x3] =	stream.indirect.gather @!p0 [hbm4b:s3+s25], $0x10, s24, s25, $0xb8;
	[tilespmem:$0xB700] =	vst v63  }
0xa9: {  	s24 =	sadd.s32 @!p0 $0x6C0, s22;
	s25 =	simm.s32 @!p0 $0x48;
	s26 =	simm.s32 @!p0 $0x8500  }
0xaa: {  	[tilespmem:s26], [sflag:$0x3] =	stream.indirect.gather @!p0 [hbm4b:s3+s25], $0x10, s24, s25, $0xb8;
	[tilespmem:$0xB700] =	vst v63  }
0xab: {  	_ =	swait.ge [sflag:s16], $0x800  }
0xac: {  	[sflag:s16] =	ssyncset.done $0x0  }
0xad: {  	[sflag:s16] =	ssyncadd.s32 $0xFFFFF800  }
0xae: {  	_ =	swait.ge [sflag:s16], $0x480  }
0xaf: {  	[sflag:s16] =	ssyncset.done $0x0  }
0xb0: {  	s26 =	simm.s32 $0x0;
	[sflag:s16] =	ssyncadd.s32 $0xFFFFFB80  }
0xb1: {  	v0 =	vld [tilespmem:s26+$0x89F0]  }
0xb2: {  	v1 =	vld [tilespmem:s26+$0x8980]  }
0xb3: {  	v3 =	vld [tilespmem:s26+$0x8990]  }
0xb4: {  	v12 =	vld [tilespmem:s26+$0x89A0]  }
0xb5: {  	v11 =	vld [tilespmem:s26+$0x89B0]  }
0xb6: {  	v9 =	vimm.f32 $0.0e+00;
	v2 =	vimm.f32 $0.0e+00;
	v4 =	vld [tilespmem:s26+$0x89C0]  }
0xb7: {  	v8 =	vimm.f32 $0.0e+00;
	v5 =	vld [tilespmem:s26+$0x89D0];
	v0 =	vadd.f32 v0, v2;
	v7 =	vadd.f32 v1, v2  }
0xb8: {  	s24 =	simm.s32 $0x80;
	s25 =	simm.s32 $0x400;
	v6 =	vld [tilespmem:s26+$0x89E0];
	v10 =	vadd.f32 v3, v2;
	v3 =	vimm.f32 $0.0e+00;
	v1 =	vimm.f32 $0.0e+00  }
.LBB2_9:
0xb9: {  	p1 =	sne.s32 s25, $0x3000;
	v13 =	vld [tilespmem:s24+$0x89F0];
	v2 =	vadd.f32 v12, v2  }
0xba: {  	v14 =	vld [tilespmem:s24+$0x8980];
	v8 =	vadd.f32 v11, v8  }
0xbb: {  	v15 =	vld [tilespmem:s24+$0x8990];
	v9 =	vadd.f32 v4, v9  }
.Ltmp3:
0xbc: {  	v12 =	vld [tilespmem:s24+$0x89A0];
	v3 =	vadd.f32 v5, v3;
	(pc) =	sbr.rel @p1 .LBB2_9-.Ltmp3, $4  }
0xbd: {  	v11 =	vld [tilespmem:s24+$0x89B0];
	v1 =	vadd.f32 v6, v1  }
0xbe: {  	v4 =	vld [tilespmem:s24+$0x89C0];
	v0 =	vadd.f32 v13, v0  }
0xbf: {  	v7 =	vadd.f32 v14, v7;
	v5 =	vld [tilespmem:s24+$0x89D0]  }
0xc0: {  	v10 =	vadd.f32 v15, v10;
	v6 =	vld [tilespmem:s24+$0x89E0];
	s24 =	sshra.s32 s25, $0x2;
	s25 =	sadd.s32 $0x200, s25  }
0xc1: {  	v13 =	vld [tilespmem:s24+$0x8980]  }
0xc2: {  	v14 =	vld [tilespmem:s24+$0x8990];
	_ =	sdelay $0x1  }
0xc3: {  	v15 =	vld [tilespmem:s24+$0x89A0];
	_ =	sdelay $0x1  }
0xc4: {  	v2 =	vadd.f32 v12, v2;
	v12 =	vld [tilespmem:s24+$0x89B0]  }
0xc5: {  	v7 =	vadd.f32 v13, v7;
	v10 =	vadd.f32 v14, v10  }
0xc6: {  	v8 =	vadd.f32 v11, v8;
	v11 =	vld [tilespmem:s24+$0x89C0]  }
0xc7: {  	v2 =	vadd.f32 v15, v2;
	v7 =	vadd.f32 v10, v7  }
0xc8: {  	v4 =	vadd.f32 v4, v9;
	v9 =	vld [tilespmem:s24+$0x89D0]  }
0xc9: {  	v8 =	vadd.f32 v12, v8;
	v2 =	vadd.f32 v2, v7  }
0xca: {  	v3 =	vadd.f32 v5, v3;
	v5 =	vld [tilespmem:s24+$0x89E0]  }
0xcb: {  	v4 =	vadd.f32 v11, v4;
	v2 =	vadd.f32 v8, v2  }
0xcc: {  	v1 =	vadd.f32 v6, v1;
	v7 =	vld [tilespmem:s24+$0x89F0]  }
0xcd: {  	v3 =	vadd.f32 v9, v3;
	v2 =	vadd.f32 v4, v2;
	_ =	sdelay $0x1  }
0xce: {  	v1 =	vadd.f32 v5, v1;
	v2 =	vadd.f32 v3, v2;
	_ =	sdelay $0x1  }
0xcf: {  	v0 =	vadd.f32 v7, v0;
	v1 =	vadd.f32 v1, v2;
	_ =	sdelay $0x1  }
0xd0: {  	v0 =	vadd.f32 v0, v1;
	_ =	sdelay $0x1  }
0xd1: {  	s25 =	simm.s32 @!p0 $0x80;
	s26 =	simm.s32 @!p0 $0x8980;
	s24 =	sadd.s32 @!p0 $0x708, s22;
	[tilespmem:s23+$0xAF30] =	vst v0  }
0xd2: {  	[tilespmem:s26], [sflag:$0x4] =	stream.indirect.gather @!p0 [hbm4b:s3+s25], $0x10, s24, s25, $0xb8;
	[tilespmem:$0xB700] =	vst v63  }
0xd3: {  	s24 =	sadd.s32 @!p0 $0x788, s22;
	s25 =	simm.s32 @!p0 $0x48;
	s26 =	simm.s32 @!p0 $0x9180  }
0xd4: {  	[tilespmem:s26], [sflag:$0x4] =	stream.indirect.gather @!p0 [hbm4b:s3+s25], $0x10, s24, s25, $0xb8;
	[tilespmem:$0xB700] =	vst v63  }
0xd5: {  	_ =	swait.ge [sflag:s17], $0x800  }
0xd6: {  	[sflag:s17] =	ssyncset.done $0x0  }
0xd7: {  	[sflag:s17] =	ssyncadd.s32 $0xFFFFF800  }
0xd8: {  	_ =	swait.ge [sflag:s17], $0x480  }
0xd9: {  	[sflag:s17] =	ssyncset.done $0x0  }
0xda: {  	s26 =	simm.s32 $0x0;
	[sflag:s17] =	ssyncadd.s32 $0xFFFFFB80  }
0xdb: {  	v0 =	vld [tilespmem:s26+$0x9670]  }
0xdc: {  	v1 =	vld [tilespmem:s26+$0x9600]  }
0xdd: {  	v3 =	vld [tilespmem:s26+$0x9610]  }
0xde: {  	v12 =	vld [tilespmem:s26+$0x9620]  }
0xdf: {  	v11 =	vld [tilespmem:s26+$0x9630]  }
0xe0: {  	v9 =	vimm.f32 $0.0e+00;
	v2 =	vimm.f32 $0.0e+00;
	v4 =	vld [tilespmem:s26+$0x9640]  }
0xe1: {  	v8 =	vimm.f32 $0.0e+00;
	v5 =	vld [tilespmem:s26+$0x9650];
	v0 =	vadd.f32 v0, v2;
	v7 =	vadd.f32 v1, v2  }
0xe2: {  	s24 =	simm.s32 $0x80;
	s25 =	simm.s32 $0x400;
	v6 =	vld [tilespmem:s26+$0x9660];
	v10 =	vadd.f32 v3, v2;
	v3 =	vimm.f32 $0.0e+00;
	v1 =	vimm.f32 $0.0e+00  }
.LBB2_11:
0xe3: {  	p1 =	sne.s32 s25, $0x3000;
	v13 =	vld [tilespmem:s24+$0x9670];
	v2 =	vadd.f32 v12, v2  }
0xe4: {  	v14 =	vld [tilespmem:s24+$0x9600];
	v8 =	vadd.f32 v11, v8  }
0xe5: {  	v15 =	vld [tilespmem:s24+$0x9610];
	v9 =	vadd.f32 v4, v9  }
.Ltmp4:
0xe6: {  	v12 =	vld [tilespmem:s24+$0x9620];
	v3 =	vadd.f32 v5, v3;
	(pc) =	sbr.rel @p1 .LBB2_11-.Ltmp4, $4  }
0xe7: {  	v11 =	vld [tilespmem:s24+$0x9630];
	v1 =	vadd.f32 v6, v1  }
0xe8: {  	v4 =	vld [tilespmem:s24+$0x9640];
	v0 =	vadd.f32 v13, v0  }
0xe9: {  	v7 =	vadd.f32 v14, v7;
	v5 =	vld [tilespmem:s24+$0x9650]  }
0xea: {  	v10 =	vadd.f32 v15, v10;
	v6 =	vld [tilespmem:s24+$0x9660];
	s24 =	sshra.s32 s25, $0x2;
	s25 =	sadd.s32 $0x200, s25  }
0xeb: {  	v13 =	vld [tilespmem:s24+$0x9600]  }
0xec: {  	v14 =	vld [tilespmem:s24+$0x9610];
	_ =	sdelay $0x1  }
0xed: {  	v15 =	vld [tilespmem:s24+$0x9620];
	_ =	sdelay $0x1  }
0xee: {  	v2 =	vadd.f32 v12, v2;
	v12 =	vld [tilespmem:s24+$0x9630]  }
0xef: {  	v7 =	vadd.f32 v13, v7;
	v10 =	vadd.f32 v14, v10  }
0xf0: {  	v8 =	vadd.f32 v11, v8;
	v11 =	vld [tilespmem:s24+$0x9640]  }
0xf1: {  	v2 =	vadd.f32 v15, v2;
	v7 =	vadd.f32 v10, v7  }
0xf2: {  	v4 =	vadd.f32 v4, v9;
	v9 =	vld [tilespmem:s24+$0x9650]  }
0xf3: {  	v8 =	vadd.f32 v12, v8;
	v2 =	vadd.f32 v2, v7  }
0xf4: {  	v3 =	vadd.f32 v5, v3;
	v5 =	vld [tilespmem:s24+$0x9660]  }
0xf5: {  	v4 =	vadd.f32 v11, v4;
	v2 =	vadd.f32 v8, v2  }
0xf6: {  	v1 =	vadd.f32 v6, v1;
	v7 =	vld [tilespmem:s24+$0x9670]  }
0xf7: {  	v3 =	vadd.f32 v9, v3;
	v2 =	vadd.f32 v4, v2;
	_ =	sdelay $0x1  }
0xf8: {  	v1 =	vadd.f32 v5, v1;
	v2 =	vadd.f32 v3, v2;
	_ =	sdelay $0x1  }
0xf9: {  	v0 =	vadd.f32 v7, v0;
	v1 =	vadd.f32 v1, v2;
	_ =	sdelay $0x1  }
0xfa: {  	v0 =	vadd.f32 v0, v1;
	_ =	sdelay $0x1  }
0xfb: {  	s25 =	simm.s32 @!p0 $0x80;
	s26 =	simm.s32 @!p0 $0x9600;
	s24 =	sadd.s32 @!p0 $0x7D0, s22;
	[tilespmem:s23+$0xAF40] =	vst v0  }
0xfc: {  	[tilespmem:s26], [sflag:$0x5] =	stream.indirect.gather @!p0 [hbm4b:s3+s25], $0x10, s24, s25, $0xb8;
	[tilespmem:$0xB700] =	vst v63  }
0xfd: {  	s24 =	sadd.s32 @!p0 $0x850, s22;
	s25 =	simm.s32 @!p0 $0x48;
	s26 =	simm.s32 @!p0 $0x9E00  }
0xfe: {  	[tilespmem:s26], [sflag:$0x5] =	stream.indirect.gather @!p0 [hbm4b:s3+s25], $0x10, s24, s25, $0xb8;
	[tilespmem:$0xB700] =	vst v63  }
0xff: {  	_ =	swait.ge [sflag:s18], $0x800  }
0x100: {  	[sflag:s18] =	ssyncset.done $0x0  }
0x101: {  	[sflag:s18] =	ssyncadd.s32 $0xFFFFF800  }
0x102: {  	_ =	swait.ge [sflag:s18], $0x480  }
0x103: {  	[sflag:s18] =	ssyncset.done $0x0  }
0x104: {  	s26 =	simm.s32 $0x0;
	[sflag:s18] =	ssyncadd.s32 $0xFFFFFB80  }
0x105: {  	v0 =	vld [tilespmem:s26+$0xA2F0]  }
0x106: {  	v1 =	vld [tilespmem:s26+$0xA280]  }
0x107: {  	v3 =	vld [tilespmem:s26+$0xA290]  }
0x108: {  	v12 =	vld [tilespmem:s26+$0xA2A0]  }
0x109: {  	v11 =	vld [tilespmem:s26+$0xA2B0]  }
0x10a: {  	v9 =	vimm.f32 $0.0e+00;
	v2 =	vimm.f32 $0.0e+00;
	v4 =	vld [tilespmem:s26+$0xA2C0]  }
0x10b: {  	v8 =	vimm.f32 $0.0e+00;
	v5 =	vld [tilespmem:s26+$0xA2D0];
	v0 =	vadd.f32 v0, v2;
	v7 =	vadd.f32 v1, v2  }
0x10c: {  	s24 =	simm.s32 $0x80;
	s25 =	simm.s32 $0x400;
	v6 =	vld [tilespmem:s26+$0xA2E0];
	v10 =	vadd.f32 v3, v2;
	v3 =	vimm.f32 $0.0e+00;
	v1 =	vimm.f32 $0.0e+00  }
.LBB2_13:
0x10d: {  	p1 =	sne.s32 s25, $0x3000;
	v13 =	vld [tilespmem:s24+$0xA2F0];
	v2 =	vadd.f32 v12, v2  }
0x10e: {  	v14 =	vld [tilespmem:s24+$0xA280];
	v8 =	vadd.f32 v11, v8  }
0x10f: {  	v15 =	vld [tilespmem:s24+$0xA290];
	v9 =	vadd.f32 v4, v9  }
.Ltmp5:
0x110: {  	v12 =	vld [tilespmem:s24+$0xA2A0];
	v3 =	vadd.f32 v5, v3;
	(pc) =	sbr.rel @p1 .LBB2_13-.Ltmp5, $4  }
0x111: {  	v11 =	vld [tilespmem:s24+$0xA2B0];
	v1 =	vadd.f32 v6, v1  }
0x112: {  	v4 =	vld [tilespmem:s24+$0xA2C0];
	v0 =	vadd.f32 v13, v0  }
0x113: {  	v7 =	vadd.f32 v14, v7;
	v5 =	vld [tilespmem:s24+$0xA2D0]  }
0x114: {  	v10 =	vadd.f32 v15, v10;
	v6 =	vld [tilespmem:s24+$0xA2E0];
	s24 =	sshra.s32 s25, $0x2;
	s25 =	sadd.s32 $0x200, s25  }
0x115: {  	v13 =	vld [tilespmem:s24+$0xA280]  }
0x116: {  	v14 =	vld [tilespmem:s24+$0xA290];
	_ =	sdelay $0x1  }
0x117: {  	v15 =	vld [tilespmem:s24+$0xA2A0];
	_ =	sdelay $0x1  }
0x118: {  	v2 =	vadd.f32 v12, v2;
	v59 =	vld [tilespmem:s24+$0xA2B0]  }
0x119: {  	v7 =	vadd.f32 v13, v7;
	v10 =	vadd.f32 v14, v10  }
0x11a: {  	v60 =	vld [tilespmem:s24+$0xA2C0];
	v8 =	vadd.f32 v11, v8  }
0x11b: {  	v2 =	vadd.f32 v15, v2;
	v7 =	vadd.f32 v10, v7  }
0x11c: {  	v61 =	vld [tilespmem:s24+$0xA2D0];
	v4 =	vadd.f32 v4, v9  }
0x11d: {  	v8 =	vadd.f32 v59, v8;
	v2 =	vadd.f32 v2, v7  }
0x11e: {  	v62 =	vld [tilespmem:s24+$0xA2E0];
	v3 =	vadd.f32 v5, v3  }
0x11f: {  	v4 =	vadd.f32 v60, v4;
	v2 =	vadd.f32 v8, v2  }
0x120: {  	v63 =	vld [tilespmem:s24+$0xA2F0];
	v1 =	vadd.f32 v6, v1  }
0x121: {  	v3 =	vadd.f32 v61, v3;
	v2 =	vadd.f32 v4, v2;
	_ =	sdelay $0x1  }
0x122: {  	v1 =	vadd.f32 v62, v1;
	v2 =	vadd.f32 v3, v2;
	_ =	sdelay $0x1  }
.Ltmp6:
0x123: {  	v0 =	vadd.f32 v63, v0;
	v1 =	vadd.f32 v1, v2;
	(pc) =	sbr.rel @p0 .LBB2_16-.Ltmp6, $3  }
0x124: {  	_ = 	snop  }
0x125: {  	v0 =	vadd.f32 v0, v1;
	_ =	sdelay $0x1  }
0x126: {  	[tilespmem:s23+$0xAF50] =	vst v0  }
.Ltmp7:
0x127: {  	(pc) =	sbr.rel .LBB2_2-.Ltmp7, $4  }
0x128: {  	s23 =	sadd.s32 $0x898, s22  }
0x129: {  	[tilespmem:s30], [sflag:$0x6] =	stream.indirect.gather [hbm4b:s3+s8], $0x10, s23, s8, $0xb8;
	[tilespmem:$0xB700] =	vst v63  }
0x12a: {  	s26 =	sadd.s32 $0x918, s22;
	s21 =	sadd.s32 $0x1, s21  }
0x12b: {  	[tilespmem:s1], [sflag:$0x6] =	stream.indirect.gather [hbm4b:s3+s10], $0x10, s26, s10, $0xb8;
	[tilespmem:$0xB700] =	vst v63  }
.LBB2_16:
0x12c: {  	_ =	swait.ge [sflag:s0], $0x800  }
0x12d: {  	[sflag:s0] =	ssyncset.done $0x0  }
0x12e: {  	[sflag:s0] =	ssyncadd.s32 $0xFFFFF800  }
0x12f: {  	_ =	swait.ge [sflag:s0], $0x480  }
0x130: {  	[sflag:s0] =	ssyncset.done $0x0  }
0x131: {  	s23 =	simm.s32 $0x0;
	[sflag:s0] =	ssyncadd.s32 $0xFFFFFB80  }
0x132: {  	v0 =	vld [tilespmem:s23+$0x6470]  }
0x133: {  	v1 =	vld [tilespmem:s23+$0x6400]  }
0x134: {  	v3 =	vld [tilespmem:s23+$0x6410]  }
0x135: {  	v12 =	vld [tilespmem:s23+$0x6420]  }
0x136: {  	v11 =	vld [tilespmem:s23+$0x6430]  }
0x137: {  	v2 =	vimm.f32 $0.0e+00;
	v8 =	vimm.f32 $0.0e+00;
	v4 =	vld [tilespmem:s23+$0x6440]  }
0x138: {  	v9 =	vimm.f32 $0.0e+00;
	v5 =	vld [tilespmem:s23+$0x6450];
	v0 =	vadd.f32 v0, v2;
	v7 =	vadd.f32 v1, v2  }
0x139: {  	s21 =	simm.s32 $0x80;
	s22 =	simm.s32 $0x400;
	v6 =	vld [tilespmem:s23+$0x6460];
	v10 =	vadd.f32 v3, v2;
	v3 =	vimm.f32 $0.0e+00;
	v1 =	vimm.f32 $0.0e+00  }
.LBB2_17:
0x13a: {  	p0 =	sne.s32 s22, $0x3000;
	v13 =	vld [tilespmem:s21+$0x6470];
	v2 =	vadd.f32 v12, v2  }
0x13b: {  	v14 =	vld [tilespmem:s21+$0x6400];
	v8 =	vadd.f32 v11, v8  }
0x13c: {  	v15 =	vld [tilespmem:s21+$0x6410];
	v9 =	vadd.f32 v4, v9  }
.Ltmp8:
0x13d: {  	v12 =	vld [tilespmem:s21+$0x6420];
	v3 =	vadd.f32 v5, v3;
	(pc) =	sbr.rel @p0 .LBB2_17-.Ltmp8, $4  }
0x13e: {  	v11 =	vld [tilespmem:s21+$0x6430];
	v1 =	vadd.f32 v6, v1  }
0x13f: {  	v4 =	vld [tilespmem:s21+$0x6440];
	v0 =	vadd.f32 v13, v0  }
0x140: {  	v7 =	vadd.f32 v14, v7;
	v5 =	vld [tilespmem:s21+$0x6450]  }
0x141: {  	v10 =	vadd.f32 v15, v10;
	v6 =	vld [tilespmem:s21+$0x6460];
	s21 =	sshra.s32 s22, $0x2;
	s22 =	sadd.s32 $0x200, s22  }
0x142: {  	v13 =	vld [tilespmem:s21+$0x6400]  }
0x143: {  	v14 =	vld [tilespmem:s21+$0x6410];
	_ =	sdelay $0x1  }
0x144: {  	v15 =	vld [tilespmem:s21+$0x6420];
	_ =	sdelay $0x1  }
0x145: {  	v2 =	vadd.f32 v12, v2;
	v12 =	vld [tilespmem:s21+$0x6430]  }
0x146: {  	v7 =	vadd.f32 v13, v7;
	v10 =	vadd.f32 v14, v10  }
0x147: {  	v8 =	vadd.f32 v11, v8;
	v11 =	vld [tilespmem:s21+$0x6440]  }
0x148: {  	v2 =	vadd.f32 v15, v2;
	v7 =	vadd.f32 v10, v7  }
0x149: {  	v4 =	vadd.f32 v4, v9;
	v9 =	vld [tilespmem:s21+$0x6450]  }
0x14a: {  	v8 =	vadd.f32 v12, v8;
	v2 =	vadd.f32 v2, v7  }
0x14b: {  	v3 =	vadd.f32 v5, v3;
	v5 =	vld [tilespmem:s21+$0x6460]  }
0x14c: {  	v4 =	vadd.f32 v11, v4;
	v2 =	vadd.f32 v8, v2  }
0x14d: {  	v1 =	vadd.f32 v6, v1;
	v7 =	vld [tilespmem:s21+$0x6470]  }
0x14e: {  	v3 =	vadd.f32 v9, v3;
	v2 =	vadd.f32 v4, v2;
	_ =	sdelay $0x1  }
0x14f: {  	v1 =	vadd.f32 v5, v1;
	v2 =	vadd.f32 v3, v2;
	_ =	sdelay $0x1  }
0x150: {  	v0 =	vadd.f32 v7, v0;
	v1 =	vadd.f32 v1, v2;
	_ =	sdelay $0x1  }
0x151: {  	v0 =	vadd.f32 v0, v1;
	_ =	sdelay $0x1  }
0x152: {  	[tilespmem:$0xB6E0] =	vst v0  }
0x153: {  	_ =	swait.ge [sflag:s12], $0x800  }
0x154: {  	[sflag:s12] =	ssyncset.done $0x0  }
0x155: {  	[sflag:s12] =	ssyncadd.s32 $0xFFFFF800  }
0x156: {  	_ =	swait.ge [sflag:s12], $0x480  }
0x157: {  	[sflag:s12] =	ssyncset.done $0x0  }
0x158: {  	s23 =	simm.s32 $0x0;
	[sflag:s12] =	ssyncadd.s32 $0xFFFFFB80  }
0x159: {  	v0 =	vld [tilespmem:s23+$0x70F0]  }
0x15a: {  	v1 =	vld [tilespmem:s23+$0x7080]  }
0x15b: {  	v3 =	vld [tilespmem:s23+$0x7090]  }
0x15c: {  	v12 =	vld [tilespmem:s23+$0x70A0]  }
0x15d: {  	v11 =	vld [tilespmem:s23+$0x70B0]  }
0x15e: {  	v9 =	vimm.f32 $0.0e+00;
	v2 =	vimm.f32 $0.0e+00;
	v4 =	vld [tilespmem:s23+$0x70C0]  }
0x15f: {  	v8 =	vimm.f32 $0.0e+00;
	v5 =	vld [tilespmem:s23+$0x70D0];
	v0 =	vadd.f32 v0, v2;
	v7 =	vadd.f32 v1, v2  }
0x160: {  	s22 =	simm.s32 $0x400;
	s21 =	simm.s32 $0x80;
	v6 =	vld [tilespmem:s23+$0x70E0];
	v10 =	vadd.f32 v3, v2;
	v3 =	vimm.f32 $0.0e+00;
	v1 =	vimm.f32 $0.0e+00  }
.LBB2_19:
0x161: {  	p0 =	sne.s32 s22, $0x3000;
	v13 =	vld [tilespmem:s21+$0x70F0];
	v2 =	vadd.f32 v12, v2  }
0x162: {  	v14 =	vld [tilespmem:s21+$0x7080];
	v8 =	vadd.f32 v11, v8  }
0x163: {  	v15 =	vld [tilespmem:s21+$0x7090];
	v9 =	vadd.f32 v4, v9  }
.Ltmp9:
0x164: {  	v12 =	vld [tilespmem:s21+$0x70A0];
	v3 =	vadd.f32 v5, v3;
	(pc) =	sbr.rel @p0 .LBB2_19-.Ltmp9, $4  }
0x165: {  	v11 =	vld [tilespmem:s21+$0x70B0];
	v1 =	vadd.f32 v6, v1  }
0x166: {  	v4 =	vld [tilespmem:s21+$0x70C0];
	v0 =	vadd.f32 v13, v0  }
0x167: {  	v7 =	vadd.f32 v14, v7;
	v5 =	vld [tilespmem:s21+$0x70D0]  }
0x168: {  	v10 =	vadd.f32 v15, v10;
	v6 =	vld [tilespmem:s21+$0x70E0];
	s21 =	sshra.s32 s22, $0x2;
	s22 =	sadd.s32 $0x200, s22  }
0x169: {  	v13 =	vld [tilespmem:s21+$0x7080]  }
0x16a: {  	v14 =	vld [tilespmem:s21+$0x7090];
	_ =	sdelay $0x1  }
0x16b: {  	v15 =	vld [tilespmem:s21+$0x70A0];
	_ =	sdelay $0x1  }
0x16c: {  	v2 =	vadd.f32 v12, v2;
	v59 =	vld [tilespmem:s21+$0x70B0]  }
0x16d: {  	v7 =	vadd.f32 v13, v7;
	v10 =	vadd.f32 v14, v10  }
0x16e: {  	v60 =	vld [tilespmem:s21+$0x70C0];
	v8 =	vadd.f32 v11, v8  }
0x16f: {  	v2 =	vadd.f32 v15, v2;
	v7 =	vadd.f32 v10, v7  }
0x170: {  	v61 =	vld [tilespmem:s21+$0x70D0];
	v4 =	vadd.f32 v4, v9  }
0x171: {  	v8 =	vadd.f32 v59, v8;
	v2 =	vadd.f32 v2, v7  }
0x172: {  	v62 =	vld [tilespmem:s21+$0x70E0];
	v3 =	vadd.f32 v5, v3  }
0x173: {  	v4 =	vadd.f32 v60, v4;
	v2 =	vadd.f32 v8, v2  }
0x174: {  	v63 =	vld [tilespmem:s21+$0x70F0];
	v1 =	vadd.f32 v6, v1  }
0x175: {  	v3 =	vadd.f32 v61, v3;
	v2 =	vadd.f32 v4, v2;
	_ =	sdelay $0x1  }
0x176: {  	v1 =	vadd.f32 v62, v1;
	v2 =	vadd.f32 v3, v2;
	_ =	sdelay $0x1  }
0x177: {  	v0 =	vadd.f32 v63, v0;
	v1 =	vadd.f32 v1, v2;
	_ =	sdelay $0x1  }
0x178: {  	s20 =	sadd.s32 $0x1, s20;
	v0 =	vadd.f32 v0, v1  }
0x179: {  	p0 =	sne.s32 s20, s6  }
.Ltmp10:
0x17a: {  	[tilespmem:$0xB6F0] =	vst v0;
	(pc) =	sbr.rel @p0 .LBB2_1-.Ltmp10, $4  }
0x17b: {  	[hbm4b:s5+s2] =	stream.linear.scatter [tilespmem:s19], [sflag:$0x7], $0x800, $0x38;
	[tilespmem:$0xB700] =	vst v63  }
0x17c: {  	_ =	swait.ge [sflag:s7], $0x800  }
0x17d: {  	[sflag:s7] =	ssyncset.done $0x0  }
0x17e: {  	[sflag:s7] =	ssyncadd.s32 $0xFFFFF800  }
0x17f: {  	_ =	sfence.sel $0x180000  }
0x180: {  	[bflag:$0x0] =	sbarrier.arrive $0xFFFF  }
0x181: {  	_ =	strace $0x90000047  }
0x182: {  	s0 =	stileid.u32;
	[bflag:$0x2] =	sbarrier.arrive $0xFFFF  }
0x183: {  	p0 =	sne.s32 s0, $0x0;
	s0 =	rddreg [dreg:$0x2]  }
0x184: {  	s0 =	sadd.s32 @!p0 $0x100000, s0  }
0x185: {  	[sflag:s0] =	ssyncadd.tile.s32 @!p0 $0x1;
	_ =	shalt  }
.Lfunc_end2:
_tile_overlayer_lowered:
.L_overlay_start_2:
0x186: {  	(tag) =	ssettag $0x2  }
0x187: {  	s0 =	rddreg [dreg:$0x0];
	s2 =	stileid.u32  }
0x188: {  	s1 =	rddreg [dreg:$0x1];
	p0 =	sne.s32 s2, $0x0  }
0x189: {  	s3 =	rddreg [dreg:$0x2];
	[bflag:$0x3] =	sbarrier.arrive $0xFFFF;
	s2 =	simm.s32 @!p0 $0x1C07  }
0x18a: {  	[timem:s3], [sflag:s2] =	dma.local @!p0 [hbm:s0], s1  }
0x18b: {  	s0 =	simm.s32 @!p0 $0x7  }
0x18c: {  	_ =	swait.ge @!p0 [sflag:s0], s1  }
0x18d: {  	s1 =	ssub.s32 @!p0 $0x0, s1;
	[sflag:s0] =	ssyncset.done @!p0 $0x0  }
0x18e: {  	[sflag:s0] =	ssyncadd.s32 @!p0 s1  }
0x18f: {  	[bflag:$0x3] =	sbarrier.arrive $0xFFFF  }
0x190: {  	_ =	shalt  }

</sc_bundles>
